<compile_context>
chip_gen: v7x
topology: tpu7x:2x2x1
jax: 0.10.2.dev20260603
libtpu: 0.0.44.dev20260713+nightly
codegen_flags: <defaults>
</compile_context>

<pallas_src>
import functools

import jax
import jax.numpy as jnp
from jax import lax
from jax.experimental import pallas as pl
from jax.experimental.pallas import tpu as pltpu
from jax.experimental.pallas import tpu_sc as plsc

B, T, K = 16, 512, 64


def _tc_logz_body(emis_ref, trans_ref, transT_ref, start_ref, end_ref,
                  len_ref, out_ref, E_ref, Ew_ref):
    expA_bf = jnp.exp(trans_ref[...]).astype(jnp.bfloat16)
    expAT_bf = jnp.exp(transT_ref[...]).astype(jnp.bfloat16)
    lens = len_ref[...]

    H = T // 2
    lens3 = lens[:, :, None]
    emsum_f = jnp.zeros((B, 1), jnp.float32)
    emsum_b = jnp.zeros((B, 1), jnp.float32)
    CH = 128
    for ci in range(T // CH):
        e = emis_ref[:, pl.ds(ci * CH, CH), :]
        em = jnp.max(e, axis=2, keepdims=True)
        Ech = jnp.exp(e - em)
        E_ref[:, pl.ds(ci * CH, CH), :] = Ech
        er = Ech.reshape(4, 4, CH, K)
        Ew_ref[:, pl.ds(ci * CH, CH), :] = jnp.concatenate(
            [er[0], er[1], er[2], er[3]], axis=-1)
        ti = lax.broadcasted_iota(jnp.int32, (B, CH, 1), 1) + ci * CH
        mk = (ti >= 1) & (ti < lens3)
        emv = jnp.where(mk, em, 0.0)
        if ci < (T // CH) // 2:
            emsum_f = emsum_f + jnp.sum(emv, axis=1)
        else:
            emsum_b = emsum_b + jnp.sum(emv, axis=1)

    Q = T // 4

    alpha0 = start_ref[...] + emis_ref[:, 0, :]
    m0 = jnp.max(alpha0, axis=1, keepdims=True)
    a = jnp.exp(alpha0 - m0)
    ca = m0 + emsum_f

    endv = end_ref[...]
    mb0 = jnp.max(endv)
    b = jnp.broadcast_to(jnp.exp(endv - mb0), (B, K))
    cb = mb0 + emsum_b

    blk = jnp.broadcast_to(jnp.exp(trans_ref[...])[None, :, None, :],
                           (4, K, 4, K))
    u_id = lax.broadcasted_iota(jnp.int32, (4, 1, 4, 1), 0)
    c_id = lax.broadcasted_iota(jnp.int32, (4, 1, 4, 1), 2)
    bd_bf = (blk * (u_id == c_id).astype(jnp.float32)).reshape(
        4 * K, 4 * K).astype(jnp.bfloat16)

    ii = lax.broadcasted_iota(jnp.int32, (4, K, 4 * K), 1)
    jj = lax.broadcasted_iota(jnp.int32, (4, K, 4 * K), 2)
    M_id = (jj % K == ii).astype(jnp.float32)
    lr = jnp.broadcast_to(lens, (B, K)).reshape(4, 4, K)
    lens_w = jnp.concatenate([lr[0], lr[1], lr[2], lr[3]], axis=-1)[:, None, :]

    def fsub(t, a):
        E = E_ref[:, t, :]
        an = jnp.dot(a.astype(jnp.bfloat16), expA_bf,
                     preferred_element_type=jnp.float32) * E
        keep = (t < lens) & (t >= 1)
        return jnp.where(keep, an, a)

    def bsub(t, b):
        E = E_ref[:, t, :]
        bn = jnp.dot((b * E).astype(jnp.bfloat16), expAT_bf,
                     preferred_element_type=jnp.float32)
        return jnp.where(t < lens, bn, b)

    def msub(t, M):
        Mm = jnp.dot(M.reshape(4 * K, 4 * K).astype(jnp.bfloat16), bd_bf,
                     preferred_element_type=jnp.float32).reshape(4, K, 4 * K)
        Ew = Ew_ref[:, t, :][:, None, :]
        Mn = Mm * Ew
        return jnp.where(t < lens_w, Mn, M)

    def renorm(x, c):
        m = jnp.max(x, axis=1, keepdims=True)
        return x * (1.0 / m), c + jnp.log(m)

    def renorm_m(M, c):
        mx = jnp.max(M, axis=1, keepdims=True)
        mcs = [jnp.max(mx[:, :, K * blk_i:K * (blk_i + 1)], axis=2,
                       keepdims=True) for blk_i in range(4)]
        mxb = jnp.concatenate(
            [jnp.broadcast_to(m, (4, 1, K)) for m in mcs], axis=2)
        dlt = jnp.concatenate([m[:, :, 0] for m in mcs], axis=0)
        return M * (1.0 / mxb), c + jnp.log(dlt)

    M2 = M_id
    M3 = M_id
    cM2 = jnp.zeros((B, 1), jnp.float32)
    cM3 = jnp.zeros((B, 1), jnp.float32)

    def group(g, carry):
        a, ca, b, cb, M2, cM2, M3, cM3 = carry
        for j in range(4):
            a = fsub(8 * g + j, a)
            b = bsub(T - 1 - 8 * g - j, b)
            M2 = msub(Q + 8 * g + j, M2)
            M3 = msub(2 * Q + 8 * g + j, M3)
        b, cb = renorm(b, cb)
        for j in range(4, 8):
            a = fsub(8 * g + j, a)
            b = bsub(T - 1 - 8 * g - j, b)
            M2 = msub(Q + 8 * g + j, M2)
            M3 = msub(2 * Q + 8 * g + j, M3)
        a, ca = renorm(a, ca)
        b, cb = renorm(b, cb)
        M2, cM2 = renorm_m(M2, cM2)
        M3, cM3 = renorm_m(M3, cM3)
        return a, ca, b, cb, M2, cM2, M3, cM3

    a, ca, b, cb, M2, cM2, M3, cM3 = lax.fori_loop(
        0, Q // 8, group, (a, ca, b, cb, M2, cM2, M3, cM3))

    def apply_m(v, M):
        rows = []
        for bt in range(B):
            u, cc = bt % 4, bt // 4
            blk_m = M[u][:, K * cc:K * (cc + 1)].astype(jnp.bfloat16)
            rows.append(jnp.dot(v[bt:bt + 1, :].astype(jnp.bfloat16), blk_m,
                                preferred_element_type=jnp.float32))
        return jnp.concatenate(rows, axis=0)

    v = apply_m(a, M2)
    v = apply_m(v, M3)
    z = (ca[:, 0] + cM2[:, 0] + cM3[:, 0] + cb[:, 0]
         + jnp.log(jnp.sum(v * b, axis=1)))
    out_ref[...] = jnp.broadcast_to(z[:, None], (B, 128))


def _tc_logz(emissions, transitions, start_transitions, end_transitions,
             len32):
    out = pl.pallas_call(
        _tc_logz_body,
        out_shape=jax.ShapeDtypeStruct((B, 128), jnp.float32),
        scratch_shapes=[pltpu.VMEM((B, T, K), jnp.float32),
                        pltpu.VMEM((4, T, 4 * K), jnp.float32)],
    )(
        emissions,
        transitions,
        transitions.T,
        start_transitions.reshape(1, K),
        end_transitions.reshape(1, K),
        len32.reshape(B, 1),
    )
    return out[:, 0]


@functools.cache
def _make_sc_scores():
    mesh = plsc.VectorSubcoreMesh(core_axis_name="c", subcore_axis_name="s")

    HT = T // 2

    @functools.partial(
        pl.kernel,
        mesh=mesh,
        compiler_params=pltpu.CompilerParams(needs_layout_passes=False),
        out_type=jax.ShapeDtypeStruct((2 * B, 16), jnp.float32),
        scratch_types=[
            pltpu.VMEM((HT, K), jnp.float32),
            pltpu.VMEM((T,), jnp.int32),
            pltpu.VMEM((K, K), jnp.float32),
            pltpu.VMEM((K,), jnp.float32),
            pltpu.VMEM((K,), jnp.float32),
            pltpu.VMEM((B,), jnp.int32),
            pltpu.VMEM((16,), jnp.float32),
            pltpu.SemaphoreType.DMA,
        ],
    )
    def _sc_scores(emis_hbm, trans_hbm, start_hbm, end_hbm, tags_hbm, len_hbm,
                   out_hbm, emis_v, tags_v, trans_v, start_v, end_v, len_v,
                   acc_v, sem):
        s_id = lax.axis_index("s")
        c_id = lax.axis_index("c")
        wid = s_id * 2 + c_id
        b = s_id
        h = c_id

        cps = [
            pltpu.async_copy(emis_hbm.at[b, pl.ds(h * HT, HT)], emis_v, sem),
            pltpu.async_copy(tags_hbm.at[b], tags_v, sem),
            pltpu.async_copy(trans_hbm, trans_v, sem),
            pltpu.async_copy(start_hbm, start_v, sem),
            pltpu.async_copy(end_hbm, end_v, sem),
            pltpu.async_copy(len_hbm, len_v, sem),
        ]
        for cp in cps:
            cp.wait()

        lane = lax.iota(jnp.int32, 16)
        bvec = jnp.full((16,), b, jnp.int32)
        lenv = plsc.load_gather(len_v, [bvec])
        hoff = h * HT

        def gath(i, acc):
            tl_ = lane + 16 * i
            tv = tl_ + hoff
            tags_t = plsc.load_gather(tags_v, [tv])
            ev = plsc.load_gather(emis_v, [tl_, tags_t])
            mk = (tv < lenv).astype(jnp.float32)
            acc = acc + ev * mk
            pv = plsc.load_gather(tags_v, [jnp.maximum(tv - 1, 0)])
            trv = plsc.load_gather(trans_v, [pv, tags_t])
            mk2 = jnp.where(tv >= 1, mk, 0.0)
            return acc + trv * mk2

        acc = lax.fori_loop(0, HT // 16, gath, jnp.zeros((16,), jnp.float32))

        lane0 = lane == 0
        zero16 = jnp.zeros((16,), jnp.int32)
        t0 = plsc.load_gather(tags_v, [zero16])
        sv = plsc.load_gather(start_v, [t0])
        smk = (lane0 & (jnp.full((16,), h) == 0)).astype(jnp.float32)
        acc = acc + sv * smk
        lastt = jnp.maximum(lenv - 1, 0)
        tlast = plsc.load_gather(tags_v, [lastt])
        evv = plsc.load_gather(end_v, [tlast])
        emk = (lane0 & (lastt // HT == jnp.full((16,), h))).astype(jnp.float32)
        acc = acc + evv * emk

        tot = jnp.sum(acc)
        acc_v[...] = jnp.full((16,), tot)
        pltpu.sync_copy(acc_v, out_hbm.at[wid])

    return _sc_scores


def kernel(emissions, transitions, start_transitions, end_transitions, tags,
           lengths):
    tags32 = tags.astype(jnp.int32)
    len32 = lengths.astype(jnp.int32)
    log_z = _tc_logz(emissions, transitions, start_transitions, end_transitions,
                     len32)
    sc_out = _make_sc_scores()(emissions, transitions, start_transitions,
                               end_transitions, tags32, len32)
    scores = sc_out[:, 0].reshape(B, 2).sum(axis=1)
    return scores - log_z

# --- scband reference (transcript-rebuilt; emitter-appended) ---
"""Pipeline reference for scband-crf-decoder-abc-46033459479310 (READ-ONLY COPY).

The authoritative reference and input builder live on the scoring server;
editing this copy changes nothing except your own understanding.
"""

import jax, jax.numpy as jnp
import numpy as np

B, T, K = 16, 512, 64

def setup_inputs(seed: int = 0) -> dict:
    key = jax.random.key(seed)
    k1, k2, k3, k4, k5, k6 = jax.random.split(key, 6)
    emissions = jax.random.normal(k1, (B, T, K), dtype=jnp.float32)
    tags = jax.random.randint(k2, (B, T), 0, K).astype(jnp.int64)
    lengths = jnp.clip(jax.random.randint(k3, (B,), 1, T + 1), 1, T).astype(jnp.int64)
    transitions = 0.01 * jax.random.normal(k4, (K, K), dtype=jnp.float32)
    start_transitions = 0.01 * jax.random.normal(k5, (K,), dtype=jnp.float32)
    end_transitions = 0.01 * jax.random.normal(k6, (K,), dtype=jnp.float32)
    return {
        "emissions": emissions,
        "transitions": transitions,
        "start_transitions": start_transitions,
        "end_transitions": end_transitions,
        "tags": tags,
        "lengths": lengths,
    }


def _log_partitions(emissions, transitions, start_transitions, end_transitions, mask):
    # forward algorithm (log semiring tree reduce equivalent)
    alpha0 = start_transitions[None, :] + emissions[:, 0]  # [B, K]

    def step(alpha, inp):
        emit_t, mask_t = inp  # [B, K], [B]
        next_alpha = jax.scipy.special.logsumexp(
            alpha[:, :, None] + transitions[None, :, :], axis=1
        ) + emit_t
        alpha = jnp.where(mask_t[:, None], next_alpha, alpha)
        return alpha, None

    emis_t = jnp.swapaxes(emissions, 0, 1)[1:]  # [T-1, B, K]
    mask_t = jnp.swapaxes(mask, 0, 1)[1:]       # [T-1, B]
    alpha, _ = jax.lax.scan(step, alpha0, (emis_t, mask_t))
    return jax.scipy.special.logsumexp(alpha + end_transitions[None, :], axis=1)


def _log_scores(emissions, transitions, start_transitions, end_transitions, tags, lengths, mask):
    fmask = mask.astype(emissions.dtype)
    emit_scores = jnp.take_along_axis(emissions, tags[..., None], axis=-1)[..., 0]  # [B, T]
    emit_scores = jnp.sum(emit_scores * fmask, axis=1)
    trans_scores = transitions[tags[:, :-1], tags[:, 1:]]  # [B, T-1]
    trans_scores = jnp.sum(trans_scores * fmask[:, 1:], axis=1)
    last_idx = (lengths - 1)[:, None]
    last_tags = jnp.take_along_axis(tags, last_idx, axis=1)[:, 0]
    return (start_transitions[tags[:, 0]] + emit_scores + trans_scores
            + end_transitions[last_tags])


def reference(emissions, transitions, start_transitions, end_transitions, tags, lengths):
    # CrfDecoderABC.fit: log_prob = log_scores(tags) - log_partitions per sequence
    mask = jnp.arange(T)[None, :] < lengths[:, None]  # [B, T]
    log_Z = _log_partitions(emissions, transitions, start_transitions, end_transitions, mask)
    scores = _log_scores(emissions, transitions, start_transitions, end_transitions, tags, lengths, mask)
    return scores - log_Z

if __name__ == "__main__":
    import jax
    _d = setup_inputs()
    print(jax.jit(kernel)(*tuple(_d.values())))

</pallas_src>

<mosaic_0001>
#map = affine_map<(d0, d1) -> (0, 0, 0)>
#map1 = affine_map<(d0, d1) -> (0, 0)>
#map2 = affine_map<(d0, d1) -> (0)>
module attributes {stable_mosaic.version = 14 : i64} {
  func.func @_sc_scores(%arg0: i32, %arg1: i32, %arg2: memref<16x512x64xf32, #tpu.memory_space<hbm>>, %arg3: memref<64x64xf32, #tpu.memory_space<hbm>>, %arg4: memref<64xf32, #tpu.memory_space<hbm>>, %arg5: memref<64xf32, #tpu.memory_space<hbm>>, %arg6: memref<16x512xi32, #tpu.memory_space<hbm>>, %arg7: memref<16xi32, #tpu.memory_space<hbm>>, %arg8: memref<32x16xf32, #tpu.memory_space<hbm>>, %arg9: memref<256x64xf32, #tpu.memory_space<vmem>>, %arg10: memref<512xi32, #tpu.memory_space<vmem>>, %arg11: memref<64x64xf32, #tpu.memory_space<vmem>>, %arg12: memref<64xf32, #tpu.memory_space<vmem>>, %arg13: memref<64xf32, #tpu.memory_space<vmem>>, %arg14: memref<16xi32, #tpu.memory_space<vmem>>, %arg15: memref<16xf32, #tpu.memory_space<vmem>>, %arg16: memref<!tpu.dma_semaphore, #tpu.memory_space<semaphore_mem>>) attributes {dimension_semantics = [#tpu.dimension_semantics<core_parallel>, #tpu.dimension_semantics<subcore_parallel>], iteration_bounds = array<i64: 2, 16>, scalar_prefetch = 0 : i64, scratch_operands = 8 : i64, tpu.core_type = #tpu.core_type<sc_vector_subcore>, window_params = [{transform_indices = #map}, {transform_indices = #map1}, {transform_indices = #map2}, {transform_indices = #map2}, {transform_indices = #map1}, {transform_indices = #map2}, {transform_indices = #map1}]} {
    %mul3A = arith.constant 2 : i32
    %mul3A_0 = arith.muli %arg1, %mul3A : i32
    %add3A = arith.addi %mul3A_0, %arg0 : i32
    %mul3A_1 = arith.constant 256 : i32
    %mul3A_2 = arith.muli %arg0, %mul3A_1 : i32
    %dma_start3A = arith.constant 0 : i32
    %dma_start3A_3 = tpu.memref_slice %arg2[%arg1, %mul3A_2, %dma_start3A] : memref<16x512x64xf32, #tpu.memory_space<hbm>> -> memref<1x256x64xf32, #tpu.memory_space<hbm>>
    %dma_start3A_4 = tpu.memref_squeeze %dma_start3A_3 : memref<1x256x64xf32, #tpu.memory_space<hbm>> -> memref<256x64xf32, #tpu.memory_space<hbm>>
    %dma_start3A_5 = arith.constant 0 : i32
    %dma_start3A_6 = tpu.memref_slice %arg2[%arg1, %mul3A_2, %dma_start3A_5] : memref<16x512x64xf32, #tpu.memory_space<hbm>> -> memref<1x256x64xf32, #tpu.memory_space<hbm>>
    %dma_start3A_7 = tpu.memref_squeeze %dma_start3A_6 : memref<1x256x64xf32, #tpu.memory_space<hbm>> -> memref<256x64xf32, #tpu.memory_space<hbm>>
    tpu.enqueue_dma source(%dma_start3A_7 : memref<256x64xf32, #tpu.memory_space<hbm>>) target(%arg9 : memref<256x64xf32, #tpu.memory_space<vmem>>) target_semaphore(%arg16 : memref<!tpu.dma_semaphore, #tpu.memory_space<semaphore_mem>>)
    %dma_start3A_8 = arith.constant 0 : i32
    %dma_start3A_9 = tpu.memref_slice %arg6[%arg1, %dma_start3A_8] : memref<16x512xi32, #tpu.memory_space<hbm>> -> memref<1x512xi32, #tpu.memory_space<hbm>>
    %dma_start3A_10 = tpu.memref_squeeze %dma_start3A_9 : memref<1x512xi32, #tpu.memory_space<hbm>> -> memref<512xi32, #tpu.memory_space<hbm>>
    %dma_start3A_11 = arith.constant 0 : i32
    %dma_start3A_12 = tpu.memref_slice %arg6[%arg1, %dma_start3A_11] : memref<16x512xi32, #tpu.memory_space<hbm>> -> memref<1x512xi32, #tpu.memory_space<hbm>>
    %dma_start3A_13 = tpu.memref_squeeze %dma_start3A_12 : memref<1x512xi32, #tpu.memory_space<hbm>> -> memref<512xi32, #tpu.memory_space<hbm>>
    tpu.enqueue_dma source(%dma_start3A_13 : memref<512xi32, #tpu.memory_space<hbm>>) target(%arg10 : memref<512xi32, #tpu.memory_space<vmem>>) target_semaphore(%arg16 : memref<!tpu.dma_semaphore, #tpu.memory_space<semaphore_mem>>)
    tpu.enqueue_dma source(%arg3 : memref<64x64xf32, #tpu.memory_space<hbm>>) target(%arg11 : memref<64x64xf32, #tpu.memory_space<vmem>>) target_semaphore(%arg16 : memref<!tpu.dma_semaphore, #tpu.memory_space<semaphore_mem>>)
    tpu.enqueue_dma source(%arg4 : memref<64xf32, #tpu.memory_space<hbm>>) target(%arg12 : memref<64xf32, #tpu.memory_space<vmem>>) target_semaphore(%arg16 : memref<!tpu.dma_semaphore, #tpu.memory_space<semaphore_mem>>)
    tpu.enqueue_dma source(%arg5 : memref<64xf32, #tpu.memory_space<hbm>>) target(%arg13 : memref<64xf32, #tpu.memory_space<vmem>>) target_semaphore(%arg16 : memref<!tpu.dma_semaphore, #tpu.memory_space<semaphore_mem>>)
    tpu.enqueue_dma source(%arg7 : memref<16xi32, #tpu.memory_space<hbm>>) target(%arg14 : memref<16xi32, #tpu.memory_space<vmem>>) target_semaphore(%arg16 : memref<!tpu.dma_semaphore, #tpu.memory_space<semaphore_mem>>)
    %dma_wait3A = arith.constant 0 : i32
    %dma_wait3A_14 = tpu.memref_slice %arg2[%arg1, %mul3A_2, %dma_wait3A] : memref<16x512x64xf32, #tpu.memory_space<hbm>> -> memref<1x256x64xf32, #tpu.memory_space<hbm>>
    %dma_wait3A_15 = tpu.memref_squeeze %dma_wait3A_14 : memref<1x256x64xf32, #tpu.memory_space<hbm>> -> memref<256x64xf32, #tpu.memory_space<hbm>>
    %dma_wait3A_16 = arith.constant 0 : i32
    %dma_wait3A_17 = tpu.memref_slice %arg2[%arg1, %mul3A_2, %dma_wait3A_16] : memref<16x512x64xf32, #tpu.memory_space<hbm>> -> memref<1x256x64xf32, #tpu.memory_space<hbm>>
    %dma_wait3A_18 = tpu.memref_squeeze %dma_wait3A_17 : memref<1x256x64xf32, #tpu.memory_space<hbm>> -> memref<256x64xf32, #tpu.memory_space<hbm>>
    tpu.wait_dma2 semaphore(%arg16 : memref<!tpu.dma_semaphore, #tpu.memory_space<semaphore_mem>>) src(%dma_wait3A_18 : memref<256x64xf32, #tpu.memory_space<hbm>>) dst(%arg9 : memref<256x64xf32, #tpu.memory_space<vmem>>)
    %dma_wait3A_19 = arith.constant 0 : i32
    %dma_wait3A_20 = tpu.memref_slice %arg6[%arg1, %dma_wait3A_19] : memref<16x512xi32, #tpu.memory_space<hbm>> -> memref<1x512xi32, #tpu.memory_space<hbm>>
    %dma_wait3A_21 = tpu.memref_squeeze %dma_wait3A_20 : memref<1x512xi32, #tpu.memory_space<hbm>> -> memref<512xi32, #tpu.memory_space<hbm>>
    %dma_wait3A_22 = arith.constant 0 : i32
    %dma_wait3A_23 = tpu.memref_slice %arg6[%arg1, %dma_wait3A_22] : memref<16x512xi32, #tpu.memory_space<hbm>> -> memref<1x512xi32, #tpu.memory_space<hbm>>
    %dma_wait3A_24 = tpu.memref_squeeze %dma_wait3A_23 : memref<1x512xi32, #tpu.memory_space<hbm>> -> memref<512xi32, #tpu.memory_space<hbm>>
    tpu.wait_dma2 semaphore(%arg16 : memref<!tpu.dma_semaphore, #tpu.memory_space<semaphore_mem>>) src(%dma_wait3A_24 : memref<512xi32, #tpu.memory_space<hbm>>) dst(%arg10 : memref<512xi32, #tpu.memory_space<vmem>>)
    tpu.wait_dma2 semaphore(%arg16 : memref<!tpu.dma_semaphore, #tpu.memory_space<semaphore_mem>>) src(%arg3 : memref<64x64xf32, #tpu.memory_space<hbm>>) dst(%arg11 : memref<64x64xf32, #tpu.memory_space<vmem>>)
    tpu.wait_dma2 semaphore(%arg16 : memref<!tpu.dma_semaphore, #tpu.memory_space<semaphore_mem>>) src(%arg4 : memref<64xf32, #tpu.memory_space<hbm>>) dst(%arg12 : memref<64xf32, #tpu.memory_space<vmem>>)
    tpu.wait_dma2 semaphore(%arg16 : memref<!tpu.dma_semaphore, #tpu.memory_space<semaphore_mem>>) src(%arg5 : memref<64xf32, #tpu.memory_space<hbm>>) dst(%arg13 : memref<64xf32, #tpu.memory_space<vmem>>)
    tpu.wait_dma2 semaphore(%arg16 : memref<!tpu.dma_semaphore, #tpu.memory_space<semaphore_mem>>) src(%arg7 : memref<16xi32, #tpu.memory_space<hbm>>) dst(%arg14 : memref<16xi32, #tpu.memory_space<vmem>>)
    %iota3A = tpu.iota {dimensions = array<i32: 0>} : vector<16xi32>
    %broadcast_in_dim3A = vector.broadcast %arg1 : i32 to vector<16xi32>
    %gather3A = tpu.vector_load_idx %arg14[%broadcast_in_dim3A] : memref<16xi32, #tpu.memory_space<vmem>>[vector<16xi32>], vector<16xi32>,
    %mul3A_25 = arith.constant 256 : i32
    %mul3A_26 = arith.muli %arg0, %mul3A_25 : i32
    %broadcast_in_dim3A_27 = arith.constant 0.000000e+00 : f32
    %broadcast_in_dim3A_28 = vector.broadcast %broadcast_in_dim3A_27 : f32 to vector<16xf32>
    %scan3A = arith.constant 0 : i32
    %scan3A_29 = arith.constant 16 : i32
    %scan3A_30 = arith.addi %scan3A, %scan3A_29 : i32
    %scan3A_31 = arith.constant 1 : i32
    %scan3A_32 = scf.for %scan3A_90 = %scan3A to %scan3A_30 step %scan3A_31 iter_args(%scan3A_91 = %broadcast_in_dim3A_28) -> (vector<16xf32>)  : i32 {
      %mul3A_92 = arith.constant 16 : i32
      %mul3A_93 = arith.muli %mul3A_92, %scan3A_90 : i32
      %add3A_94 = vector.broadcast %mul3A_93 : i32 to vector<16xi32>
      %add3A_95 = arith.addi %iota3A, %add3A_94 : vector<16xi32>
      %add3A_96 = vector.broadcast %mul3A_26 : i32 to vector<16xi32>
      %add3A_97 = arith.addi %add3A_95, %add3A_96 : vector<16xi32>
      %gather3A_98 = tpu.vector_load_idx %arg10[%add3A_97] : memref<512xi32, #tpu.memory_space<vmem>>[vector<16xi32>], vector<16xi32>,
      %gather3A_99 = tpu.vector_load_idx %arg9[%add3A_95, %gather3A_98] : memref<256x64xf32, #tpu.memory_space<vmem>>[vector<16xi32>, vector<16xi32>], vector<16xf32>,
      %lt3A = arith.cmpi slt, %add3A_97, %gather3A : vector<16xi32>
      %convert_element_type3A_100 = arith.extui %lt3A : vector<16xi1> to vector<16xi32>
      %convert_element_type3A_101 = arith.sitofp %convert_element_type3A_100 : vector<16xi32> to vector<16xf32>
      %mul3A_102 = arith.mulf %gather3A_99, %convert_element_type3A_101 : vector<16xf32>
      %add3A_103 = arith.addf %scan3A_91, %mul3A_102 : vector<16xf32>
      %sub3A_104 = arith.constant 1 : i32
      %sub3A_105 = vector.broadcast %sub3A_104 : i32 to vector<16xi32>
      %sub3A_106 = arith.subi %add3A_97, %sub3A_105 : vector<16xi32>
      %max3A_107 = arith.constant 0 : i32
      %max3A_108 = vector.broadcast %max3A_107 : i32 to vector<16xi32>
      %max3A_109 = arith.maxsi %sub3A_106, %max3A_108 : vector<16xi32>
      %gather3A_110 = tpu.vector_load_idx %arg10[%max3A_109] : memref<512xi32, #tpu.memory_space<vmem>>[vector<16xi32>], vector<16xi32>,
      %gather3A_111 = tpu.vector_load_idx %arg11[%gather3A_110, %gather3A_98] : memref<64x64xf32, #tpu.memory_space<vmem>>[vector<16xi32>, vector<16xi32>], vector<16xf32>,
      %ge3A = arith.constant 1 : i32
      %ge3A_112 = vector.broadcast %ge3A : i32 to vector<16xi32>
      %ge3A_113 = arith.cmpi sge, %add3A_97, %ge3A_112 : vector<16xi32>
      %jit3A_114 = arith.constant 0.000000e+00 : f32
      %broadcast_in_dim3A_115 = vector.broadcast %jit3A_114 : f32 to vector<16xf32>
      %select_n3A_116 = arith.select %ge3A_113, %convert_element_type3A_101, %broadcast_in_dim3A_115 : vector<16xi1>, vector<16xf32>
      %mul3A_117 = arith.mulf %gather3A_111, %select_n3A_116 : vector<16xf32>
      %add3A_118 = arith.addf %add3A_103, %mul3A_117 : vector<16xf32>
      scf.yield %add3A_118 : vector<16xf32>
    }
    %scan3A_33 = arith.constant 16 : i32
    %eq3A = arith.constant 0 : i32
    %eq3A_34 = vector.broadcast %eq3A : i32 to vector<16xi32>
    %eq3A_35 = arith.cmpi eq, %iota3A, %eq3A_34 : vector<16xi32>
    %broadcast_in_dim3A_36 = arith.constant 0 : i32
    %broadcast_in_dim3A_37 = vector.broadcast %broadcast_in_dim3A_36 : i32 to vector<16xi32>
    %gather3A_38 = tpu.vector_load_idx %arg10[%broadcast_in_dim3A_37] : memref<512xi32, #tpu.memory_space<vmem>>[vector<16xi32>], vector<16xi32>,
    %gather3A_39 = tpu.vector_load_idx %arg12[%gather3A_38] : memref<64xf32, #tpu.memory_space<vmem>>[vector<16xi32>], vector<16xf32>,
    %broadcast_in_dim3A_40 = vector.broadcast %arg0 : i32 to vector<16xi32>
    %eq3A_41 = arith.constant 0 : i32
    %eq3A_42 = vector.broadcast %eq3A_41 : i32 to vector<16xi32>
    %eq3A_43 = arith.cmpi eq, %broadcast_in_dim3A_40, %eq3A_42 : vector<16xi32>
    %and3A = arith.andi %eq3A_35, %eq3A_43 : vector<16xi1>
    %convert_element_type3A = arith.extui %and3A : vector<16xi1> to vector<16xi32>
    %convert_element_type3A_44 = arith.sitofp %convert_element_type3A : vector<16xi32> to vector<16xf32>
    %mul3A_45 = arith.mulf %gather3A_39, %convert_element_type3A_44 : vector<16xf32>
    %add3A_46 = arith.addf %scan3A_32, %mul3A_45 : vector<16xf32>
    %sub3A = arith.constant 1 : i32
    %sub3A_47 = vector.broadcast %sub3A : i32 to vector<16xi32>
    %sub3A_48 = arith.subi %gather3A, %sub3A_47 : vector<16xi32>
    %max3A = arith.constant 0 : i32
    %max3A_49 = vector.broadcast %max3A : i32 to vector<16xi32>
    %max3A_50 = arith.maxsi %sub3A_48, %max3A_49 : vector<16xi32>
    %gather3A_51 = tpu.vector_load_idx %arg10[%max3A_50] : memref<512xi32, #tpu.memory_space<vmem>>[vector<16xi32>], vector<16xi32>,
    %gather3A_52 = tpu.vector_load_idx %arg13[%gather3A_51] : memref<64xf32, #tpu.memory_space<vmem>>[vector<16xi32>], vector<16xf32>,
    %jit3A = arith.constant 256 : i32
    %div3A = vector.broadcast %jit3A : i32 to vector<16xi32>
    %div3A_53 = arith.divsi %max3A_50, %div3A : vector<16xi32>
    %sign3A = arith.constant 0 : i32
    %sign3A_54 = vector.broadcast %sign3A : i32 to vector<16xi32>
    %sign3A_55 = arith.cmpi sgt, %max3A_50, %sign3A_54 : vector<16xi32>
    %sign3A_56 = arith.extui %sign3A_55 : vector<16xi1> to vector<16xi32>
    %sign3A_57 = arith.constant 0 : i32
    %sign3A_58 = vector.broadcast %sign3A_57 : i32 to vector<16xi32>
    %sign3A_59 = arith.cmpi slt, %max3A_50, %sign3A_58 : vector<16xi32>
    %sign3A_60 = arith.extui %sign3A_59 : vector<16xi1> to vector<16xi32>
    %sign3A_61 = arith.subi %sign3A_56, %sign3A_60 : vector<16xi32>
    %sign3A_62 = arith.constant 0 : i32
    %sign3A_63 = arith.cmpi sgt, %jit3A, %sign3A_62 : i32
    %sign3A_64 = arith.extui %sign3A_63 : i1 to i32
    %sign3A_65 = arith.constant 0 : i32
    %sign3A_66 = arith.cmpi slt, %jit3A, %sign3A_65 : i32
    %sign3A_67 = arith.extui %sign3A_66 : i1 to i32
    %sign3A_68 = arith.subi %sign3A_64, %sign3A_67 : i32
    %ne3A = vector.broadcast %sign3A_68 : i32 to vector<16xi32>
    %ne3A_69 = arith.cmpi ne, %sign3A_61, %ne3A : vector<16xi32>
    %rem3A = vector.broadcast %jit3A : i32 to vector<16xi32>
    %rem3A_70 = arith.remsi %max3A_50, %rem3A : vector<16xi32>
    %ne3A_71 = arith.constant 0 : i32
    %ne3A_72 = vector.broadcast %ne3A_71 : i32 to vector<16xi32>
    %ne3A_73 = arith.cmpi ne, %rem3A_70, %ne3A_72 : vector<16xi32>
    %and3A_74 = arith.andi %ne3A_69, %ne3A_73 : vector<16xi1>
    %sub3A_75 = arith.constant 1 : i32
    %sub3A_76 = vector.broadcast %sub3A_75 : i32 to vector<16xi32>
    %sub3A_77 = arith.subi %div3A_53, %sub3A_76 : vector<16xi32>
    %select_n3A = arith.select %and3A_74, %sub3A_77, %div3A_53 : vector<16xi1>, vector<16xi32>
    %broadcast_in_dim3A_78 = vector.broadcast %arg0 : i32 to vector<16xi32>
    %eq3A_79 = arith.cmpi eq, %select_n3A, %broadcast_in_dim3A_78 : vector<16xi32>
    %and3A_80 = arith.andi %eq3A_35, %eq3A_79 : vector<16xi1>
    %convert_element_type3A_81 = arith.extui %and3A_80 : vector<16xi1> to vector<16xi32>
    %convert_element_type3A_82 = arith.sitofp %convert_element_type3A_81 : vector<16xi32> to vector<16xf32>
    %mul3A_83 = arith.mulf %gather3A_52, %convert_element_type3A_82 : vector<16xf32>
    %add3A_84 = arith.addf %add3A_46, %mul3A_83 : vector<16xf32>
    %reduce_sum3A = arith.constant true
    %reduce_sum3A_85 = vector.broadcast %reduce_sum3A : i1 to vector<16xi1>
    %reduce_sum3A_86 = tpu.scan <sum>, %add3A_84 masked %reduce_sum3A_85 : vector<16xf32>, vector<16xi1> -> vector<16xf32>
    %reduce_sum3A_87 = vector.extract %reduce_sum3A_86[15] : f32 from vector<16xf32>
    %broadcast_in_dim3A_88 = vector.broadcast %reduce_sum3A_87 : f32 to vector<16xf32>
    %swap3A = arith.constant 0 : index
    %swap3A_89 = tpu.vector_load %arg15[%swap3A] {strides = array<i32>} : memref<16xf32, #tpu.memory_space<vmem>>, vector<16xf32>,
    tpu.vector_store %arg15[%swap3A], %broadcast_in_dim3A_88 {strides = array<i32>} : memref<16xf32, #tpu.memory_space<vmem>>, vector<16xf32>,
    "tpu.region"() ({
      %run_scoped3A = tpu.sem_alloc : memref<!tpu.dma_semaphore, #tpu.memory_space<semaphore_mem>>
      %dma_start3A_90 = arith.constant 0 : i32
      %dma_start3A_91 = tpu.memref_slice %arg8[%add3A, %dma_start3A_90] : memref<32x16xf32, #tpu.memory_space<hbm>> -> memref<1x16xf32, #tpu.memory_space<hbm>>
      %dma_start3A_92 = tpu.memref_squeeze %dma_start3A_91 : memref<1x16xf32, #tpu.memory_space<hbm>> -> memref<16xf32, #tpu.memory_space<hbm>>
      %dma_start3A_93 = arith.constant 0 : i32
      %dma_start3A_94 = tpu.memref_slice %arg8[%add3A, %dma_start3A_93] : memref<32x16xf32, #tpu.memory_space<hbm>> -> memref<1x16xf32, #tpu.memory_space<hbm>>
      %dma_start3A_95 = tpu.memref_squeeze %dma_start3A_94 : memref<1x16xf32, #tpu.memory_space<hbm>> -> memref<16xf32, #tpu.memory_space<hbm>>
      tpu.enqueue_dma source(%arg15 : memref<16xf32, #tpu.memory_space<vmem>>) target(%dma_start3A_95 : memref<16xf32, #tpu.memory_space<hbm>>) target_semaphore(%run_scoped3A : memref<!tpu.dma_semaphore, #tpu.memory_space<semaphore_mem>>)
      %dma_wait3A_96 = arith.constant 0 : i32
      %dma_wait3A_97 = tpu.memref_slice %arg8[%add3A, %dma_wait3A_96] : memref<32x16xf32, #tpu.memory_space<hbm>> -> memref<1x16xf32, #tpu.memory_space<hbm>>
      %dma_wait3A_98 = tpu.memref_squeeze %dma_wait3A_97 : memref<1x16xf32, #tpu.memory_space<hbm>> -> memref<16xf32, #tpu.memory_space<hbm>>
      %dma_wait3A_99 = arith.constant 0 : i32
      %dma_wait3A_100 = tpu.memref_slice %arg8[%add3A, %dma_wait3A_99] : memref<32x16xf32, #tpu.memory_space<hbm>> -> memref<1x16xf32, #tpu.memory_space<hbm>>
      %dma_wait3A_101 = tpu.memref_squeeze %dma_wait3A_100 : memref<1x16xf32, #tpu.memory_space<hbm>> -> memref<16xf32, #tpu.memory_space<hbm>>
      tpu.wait_dma2 semaphore(%run_scoped3A : memref<!tpu.dma_semaphore, #tpu.memory_space<semaphore_mem>>) src(%arg15 : memref<16xf32, #tpu.memory_space<vmem>>) dst(%dma_wait3A_101 : memref<16xf32, #tpu.memory_space<hbm>>)
      tpu.yield
    }) : () -> ()
    return
  }
}

module attributes {stable_mosaic.version = 14 : i64} {
  func.func @_tc_logz_body(%arg0: memref<16x512x64xf32, #tpu.memory_space<vmem>>, %arg1: memref<64x64xf32, #tpu.memory_space<vmem>>, %arg2: memref<64x64xf32, #tpu.memory_space<vmem>>, %arg3: memref<1x64xf32, #tpu.memory_space<vmem>>, %arg4: memref<1x64xf32, #tpu.memory_space<vmem>>, %arg5: memref<16x1xi32, #tpu.memory_space<vmem>>, %arg6: memref<16x128xf32, #tpu.memory_space<vmem>>, %arg7: memref<16x512x64xf32, #tpu.memory_space<vmem>>, %arg8: memref<4x512x256xf32, #tpu.memory_space<vmem>>) attributes {dimension_semantics = [], scalar_prefetch = 0 : i64, scratch_operands = 2 : i64, tpu.core_type = #tpu.core_type<tc>} {
    %get3A = arith.constant 0 : index
    %get3A_0 = arith.constant 0 : index
    %get3A_1 = vector.load %arg1[%get3A, %get3A_0] : memref<64x64xf32, #tpu.memory_space<vmem>>, vector<64x64xf32>
    %exp3A = math.exp %get3A_1 : vector<64x64xf32>
    %convert_element_type3A = arith.truncf %exp3A : vector<64x64xf32> to vector<64x64xbf16>
    %get3A_2 = arith.constant 0 : index
    %get3A_3 = arith.constant 0 : index
    %get3A_4 = vector.load %arg2[%get3A_2, %get3A_3] : memref<64x64xf32, #tpu.memory_space<vmem>>, vector<64x64xf32>
    %exp3A_5 = math.exp %get3A_4 : vector<64x64xf32>
    %convert_element_type3A_6 = arith.truncf %exp3A_5 : vector<64x64xf32> to vector<64x64xbf16>
    %get3A_7 = arith.constant 0 : index
    %get3A_8 = arith.constant 0 : index
    %get3A_9 = vector.load %arg5[%get3A_7, %get3A_8] : memref<16x1xi32, #tpu.memory_space<vmem>>, vector<16x1xi32>
    %broadcast_in_dim3A = vector.shape_cast %get3A_9 : vector<16x1xi32> to vector<16x1x1xi32>
    %broadcast_in_dim3A_10 = arith.constant 0.000000e+00 : f32
    %broadcast_in_dim3A_11 = vector.broadcast %broadcast_in_dim3A_10 : f32 to vector<16x1xf32>
    %broadcast_in_dim3A_12 = arith.constant 0.000000e+00 : f32
    %broadcast_in_dim3A_13 = vector.broadcast %broadcast_in_dim3A_12 : f32 to vector<16x1xf32>
    %get3A_14 = arith.constant 0 : index
    %get3A_15 = arith.constant 0 : index
    %get3A_16 = arith.constant 0 : index
    %get3A_17 = vector.load %arg0[%get3A_14, %get3A_15, %get3A_16] : memref<16x512x64xf32, #tpu.memory_space<vmem>>, vector<16x128x64xf32>
    %reduce_max3A = arith.constant dense<0xFF800000> : vector<16x128xf32>
    %reduce_max3A_18 = vector.multi_reduction <maximumf>, %get3A_17, %reduce_max3A [2] : vector<16x128x64xf32> to vector<16x128xf32>
    %broadcast_in_dim3A_19 = vector.shape_cast %reduce_max3A_18 : vector<16x128xf32> to vector<16x128x1xf32>
    %sub3A = vector.broadcast %broadcast_in_dim3A_19 : vector<16x128x1xf32> to vector<16x128x64xf32>
    %sub3A_20 = arith.subf %get3A_17, %sub3A : vector<16x128x64xf32>
    %exp3A_21 = math.exp %sub3A_20 : vector<16x128x64xf32>
    %swap3A = arith.constant 0 : index
    %swap3A_22 = arith.constant 0 : index
    %swap3A_23 = arith.constant 0 : index
    %swap3A_24 = vector.load %arg7[%swap3A, %swap3A_22, %swap3A_23] : memref<16x512x64xf32, #tpu.memory_space<vmem>>, vector<16x128x64xf32>
    tpu.vector_store %arg7[%swap3A, %swap3A_22, %swap3A_23], %exp3A_21 {strides = array<i32>} : memref<16x512x64xf32, #tpu.memory_space<vmem>>, vector<16x128x64xf32>,
    %reshape3A = vector.shape_cast %exp3A_21 : vector<16x128x64xf32> to vector<4x4x128x64xf32>
    %slice3A = vector.extract_strided_slice %reshape3A {offsets = [0, 0, 0, 0], sizes = [1, 4, 128, 64], strides = [1, 1, 1, 1]} : vector<4x4x128x64xf32> to vector<1x4x128x64xf32>
    %squeeze3A = vector.shape_cast %slice3A : vector<1x4x128x64xf32> to vector<4x128x64xf32>
    %slice3A_25 = vector.extract_strided_slice %reshape3A {offsets = [1, 0, 0, 0], sizes = [1, 4, 128, 64], strides = [1, 1, 1, 1]} : vector<4x4x128x64xf32> to vector<1x4x128x64xf32>
    %squeeze3A_26 = vector.shape_cast %slice3A_25 : vector<1x4x128x64xf32> to vector<4x128x64xf32>
    %slice3A_27 = vector.extract_strided_slice %reshape3A {offsets = [2, 0, 0, 0], sizes = [1, 4, 128, 64], strides = [1, 1, 1, 1]} : vector<4x4x128x64xf32> to vector<1x4x128x64xf32>
    %squeeze3A_28 = vector.shape_cast %slice3A_27 : vector<1x4x128x64xf32> to vector<4x128x64xf32>
    %slice3A_29 = vector.extract_strided_slice %reshape3A {offsets = [3, 0, 0, 0], sizes = [1, 4, 128, 64], strides = [1, 1, 1, 1]} : vector<4x4x128x64xf32> to vector<1x4x128x64xf32>
    %squeeze3A_30 = vector.shape_cast %slice3A_29 : vector<1x4x128x64xf32> to vector<4x128x64xf32>
    %concatenate3A = tpu.concatenate %squeeze3A, %squeeze3A_26, %squeeze3A_28, %squeeze3A_30 in 2 : vector<4x128x64xf32>, vector<4x128x64xf32>, vector<4x128x64xf32>, vector<4x128x64xf32> -> vector<4x128x256xf32>
    %swap3A_31 = arith.constant 0 : index
    %swap3A_32 = arith.constant 0 : index
    %swap3A_33 = arith.constant 0 : index
    %swap3A_34 = vector.load %arg8[%swap3A_31, %swap3A_32, %swap3A_33] : memref<4x512x256xf32, #tpu.memory_space<vmem>>, vector<4x128x256xf32>
    tpu.vector_store %arg8[%swap3A_31, %swap3A_32, %swap3A_33], %concatenate3A {strides = array<i32>} : memref<4x512x256xf32, #tpu.memory_space<vmem>>, vector<4x128x256xf32>,
    %iota3A = tpu.iota {dimensions = array<i32: 1>} : vector<16x128x1xi32>
    %add3A = arith.constant 0 : i32
    %add3A_35 = vector.broadcast %add3A : i32 to vector<16x128x1xi32>
    %add3A_36 = arith.addi %iota3A, %add3A_35 : vector<16x128x1xi32>
    %ge3A = arith.constant 1 : i32
    %ge3A_37 = vector.broadcast %ge3A : i32 to vector<16x128x1xi32>
    %ge3A_38 = arith.cmpi sge, %add3A_36, %ge3A_37 : vector<16x128x1xi32>
    %lt3A = vector.broadcast %broadcast_in_dim3A : vector<16x1x1xi32> to vector<16x128x1xi32>
    %lt3A_39 = arith.cmpi slt, %add3A_36, %lt3A : vector<16x128x1xi32>
    %and3A = arith.andi %ge3A_38, %lt3A_39 : vector<16x128x1xi1>
    %jit3A = arith.constant 0.000000e+00 : f32
    %broadcast_in_dim3A_40 = vector.broadcast %jit3A : f32 to vector<16x128x1xf32>
    %select_n3A = arith.select %and3A, %broadcast_in_dim3A_19, %broadcast_in_dim3A_40 : vector<16x128x1xi1>, vector<16x128x1xf32>
    %reduce_sum3A = arith.constant dense<0.000000e+00> : vector<16x1xf32>
    %reduce_sum3A_41 = vector.multi_reduction <add>, %select_n3A, %reduce_sum3A [1] : vector<16x128x1xf32> to vector<16x1xf32>
    %add3A_42 = arith.addf %broadcast_in_dim3A_11, %reduce_sum3A_41 : vector<16x1xf32>
    %get3A_43 = arith.constant 0 : index
    %get3A_44 = arith.constant 128 : index
    %get3A_45 = arith.constant 0 : index
    %get3A_46 = vector.load %arg0[%get3A_43, %get3A_44, %get3A_45] : memref<16x512x64xf32, #tpu.memory_space<vmem>>, vector<16x128x64xf32>
    %reduce_max3A_47 = arith.constant dense<0xFF800000> : vector<16x128xf32>
    %reduce_max3A_48 = vector.multi_reduction <maximumf>, %get3A_46, %reduce_max3A_47 [2] : vector<16x128x64xf32> to vector<16x128xf32>
    %broadcast_in_dim3A_49 = vector.shape_cast %reduce_max3A_48 : vector<16x128xf32> to vector<16x128x1xf32>
    %sub3A_50 = vector.broadcast %broadcast_in_dim3A_49 : vector<16x128x1xf32> to vector<16x128x64xf32>
    %sub3A_51 = arith.subf %get3A_46, %sub3A_50 : vector<16x128x64xf32>
    %exp3A_52 = math.exp %sub3A_51 : vector<16x128x64xf32>
    %swap3A_53 = arith.constant 0 : index
    %swap3A_54 = arith.constant 128 : index
    %swap3A_55 = arith.constant 0 : index
    %swap3A_56 = vector.load %arg7[%swap3A_53, %swap3A_54, %swap3A_55] : memref<16x512x64xf32, #tpu.memory_space<vmem>>, vector<16x128x64xf32>
    tpu.vector_store %arg7[%swap3A_53, %swap3A_54, %swap3A_55], %exp3A_52 {strides = array<i32>} : memref<16x512x64xf32, #tpu.memory_space<vmem>>, vector<16x128x64xf32>,
    %reshape3A_57 = vector.shape_cast %exp3A_52 : vector<16x128x64xf32> to vector<4x4x128x64xf32>
    %slice3A_58 = vector.extract_strided_slice %reshape3A_57 {offsets = [0, 0, 0, 0], sizes = [1, 4, 128, 64], strides = [1, 1, 1, 1]} : vector<4x4x128x64xf32> to vector<1x4x128x64xf32>
    %squeeze3A_59 = vector.shape_cast %slice3A_58 : vector<1x4x128x64xf32> to vector<4x128x64xf32>
    %slice3A_60 = vector.extract_strided_slice %reshape3A_57 {offsets = [1, 0, 0, 0], sizes = [1, 4, 128, 64], strides = [1, 1, 1, 1]} : vector<4x4x128x64xf32> to vector<1x4x128x64xf32>
    %squeeze3A_61 = vector.shape_cast %slice3A_60 : vector<1x4x128x64xf32> to vector<4x128x64xf32>
    %slice3A_62 = vector.extract_strided_slice %reshape3A_57 {offsets = [2, 0, 0, 0], sizes = [1, 4, 128, 64], strides = [1, 1, 1, 1]} : vector<4x4x128x64xf32> to vector<1x4x128x64xf32>
    %squeeze3A_63 = vector.shape_cast %slice3A_62 : vector<1x4x128x64xf32> to vector<4x128x64xf32>
    %slice3A_64 = vector.extract_strided_slice %reshape3A_57 {offsets = [3, 0, 0, 0], sizes = [1, 4, 128, 64], strides = [1, 1, 1, 1]} : vector<4x4x128x64xf32> to vector<1x4x128x64xf32>
    %squeeze3A_65 = vector.shape_cast %slice3A_64 : vector<1x4x128x64xf32> to vector<4x128x64xf32>
    %concatenate3A_66 = tpu.concatenate %squeeze3A_59, %squeeze3A_61, %squeeze3A_63, %squeeze3A_65 in 2 : vector<4x128x64xf32>, vector<4x128x64xf32>, vector<4x128x64xf32>, vector<4x128x64xf32> -> vector<4x128x256xf32>
    %swap3A_67 = arith.constant 0 : index
    %swap3A_68 = arith.constant 128 : index
    %swap3A_69 = arith.constant 0 : index
    %swap3A_70 = vector.load %arg8[%swap3A_67, %swap3A_68, %swap3A_69] : memref<4x512x256xf32, #tpu.memory_space<vmem>>, vector<4x128x256xf32>
    tpu.vector_store %arg8[%swap3A_67, %swap3A_68, %swap3A_69], %concatenate3A_66 {strides = array<i32>} : memref<4x512x256xf32, #tpu.memory_space<vmem>>, vector<4x128x256xf32>,
    %iota3A_71 = tpu.iota {dimensions = array<i32: 1>} : vector<16x128x1xi32>
    %add3A_72 = arith.constant 128 : i32
    %add3A_73 = vector.broadcast %add3A_72 : i32 to vector<16x128x1xi32>
    %add3A_74 = arith.addi %iota3A_71, %add3A_73 : vector<16x128x1xi32>
    %ge3A_75 = arith.constant 1 : i32
    %ge3A_76 = vector.broadcast %ge3A_75 : i32 to vector<16x128x1xi32>
    %ge3A_77 = arith.cmpi sge, %add3A_74, %ge3A_76 : vector<16x128x1xi32>
    %lt3A_78 = vector.broadcast %broadcast_in_dim3A : vector<16x1x1xi32> to vector<16x128x1xi32>
    %lt3A_79 = arith.cmpi slt, %add3A_74, %lt3A_78 : vector<16x128x1xi32>
    %and3A_80 = arith.andi %ge3A_77, %lt3A_79 : vector<16x128x1xi1>
    %jit3A_81 = arith.constant 0.000000e+00 : f32
    %broadcast_in_dim3A_82 = vector.broadcast %jit3A_81 : f32 to vector<16x128x1xf32>
    %select_n3A_83 = arith.select %and3A_80, %broadcast_in_dim3A_49, %broadcast_in_dim3A_82 : vector<16x128x1xi1>, vector<16x128x1xf32>
    %reduce_sum3A_84 = arith.constant dense<0.000000e+00> : vector<16x1xf32>
    %reduce_sum3A_85 = vector.multi_reduction <add>, %select_n3A_83, %reduce_sum3A_84 [1] : vector<16x128x1xf32> to vector<16x1xf32>
    %add3A_86 = arith.addf %add3A_42, %reduce_sum3A_85 : vector<16x1xf32>
    %get3A_87 = arith.constant 0 : index
    %get3A_88 = arith.constant 256 : index
    %get3A_89 = arith.constant 0 : index
    %get3A_90 = vector.load %arg0[%get3A_87, %get3A_88, %get3A_89] : memref<16x512x64xf32, #tpu.memory_space<vmem>>, vector<16x128x64xf32>
    %reduce_max3A_91 = arith.constant dense<0xFF800000> : vector<16x128xf32>
    %reduce_max3A_92 = vector.multi_reduction <maximumf>, %get3A_90, %reduce_max3A_91 [2] : vector<16x128x64xf32> to vector<16x128xf32>
    %broadcast_in_dim3A_93 = vector.shape_cast %reduce_max3A_92 : vector<16x128xf32> to vector<16x128x1xf32>
    %sub3A_94 = vector.broadcast %broadcast_in_dim3A_93 : vector<16x128x1xf32> to vector<16x128x64xf32>
    %sub3A_95 = arith.subf %get3A_90, %sub3A_94 : vector<16x128x64xf32>
    %exp3A_96 = math.exp %sub3A_95 : vector<16x128x64xf32>
    %swap3A_97 = arith.constant 0 : index
    %swap3A_98 = arith.constant 256 : index
    %swap3A_99 = arith.constant 0 : index
    %swap3A_100 = vector.load %arg7[%swap3A_97, %swap3A_98, %swap3A_99] : memref<16x512x64xf32, #tpu.memory_space<vmem>>, vector<16x128x64xf32>
    tpu.vector_store %arg7[%swap3A_97, %swap3A_98, %swap3A_99], %exp3A_96 {strides = array<i32>} : memref<16x512x64xf32, #tpu.memory_space<vmem>>, vector<16x128x64xf32>,
    %reshape3A_101 = vector.shape_cast %exp3A_96 : vector<16x128x64xf32> to vector<4x4x128x64xf32>
    %slice3A_102 = vector.extract_strided_slice %reshape3A_101 {offsets = [0, 0, 0, 0], sizes = [1, 4, 128, 64], strides = [1, 1, 1, 1]} : vector<4x4x128x64xf32> to vector<1x4x128x64xf32>
    %squeeze3A_103 = vector.shape_cast %slice3A_102 : vector<1x4x128x64xf32> to vector<4x128x64xf32>
    %slice3A_104 = vector.extract_strided_slice %reshape3A_101 {offsets = [1, 0, 0, 0], sizes = [1, 4, 128, 64], strides = [1, 1, 1, 1]} : vector<4x4x128x64xf32> to vector<1x4x128x64xf32>
    %squeeze3A_105 = vector.shape_cast %slice3A_104 : vector<1x4x128x64xf32> to vector<4x128x64xf32>
    %slice3A_106 = vector.extract_strided_slice %reshape3A_101 {offsets = [2, 0, 0, 0], sizes = [1, 4, 128, 64], strides = [1, 1, 1, 1]} : vector<4x4x128x64xf32> to vector<1x4x128x64xf32>
    %squeeze3A_107 = vector.shape_cast %slice3A_106 : vector<1x4x128x64xf32> to vector<4x128x64xf32>
    %slice3A_108 = vector.extract_strided_slice %reshape3A_101 {offsets = [3, 0, 0, 0], sizes = [1, 4, 128, 64], strides = [1, 1, 1, 1]} : vector<4x4x128x64xf32> to vector<1x4x128x64xf32>
    %squeeze3A_109 = vector.shape_cast %slice3A_108 : vector<1x4x128x64xf32> to vector<4x128x64xf32>
    %concatenate3A_110 = tpu.concatenate %squeeze3A_103, %squeeze3A_105, %squeeze3A_107, %squeeze3A_109 in 2 : vector<4x128x64xf32>, vector<4x128x64xf32>, vector<4x128x64xf32>, vector<4x128x64xf32> -> vector<4x128x256xf32>
    %swap3A_111 = arith.constant 0 : index
    %swap3A_112 = arith.constant 256 : index
    %swap3A_113 = arith.constant 0 : index
    %swap3A_114 = vector.load %arg8[%swap3A_111, %swap3A_112, %swap3A_113] : memref<4x512x256xf32, #tpu.memory_space<vmem>>, vector<4x128x256xf32>
    tpu.vector_store %arg8[%swap3A_111, %swap3A_112, %swap3A_113], %concatenate3A_110 {strides = array<i32>} : memref<4x512x256xf32, #tpu.memory_space<vmem>>, vector<4x128x256xf32>,
    %iota3A_115 = tpu.iota {dimensions = array<i32: 1>} : vector<16x128x1xi32>
    %add3A_116 = arith.constant 256 : i32
    %add3A_117 = vector.broadcast %add3A_116 : i32 to vector<16x128x1xi32>
    %add3A_118 = arith.addi %iota3A_115, %add3A_117 : vector<16x128x1xi32>
    %ge3A_119 = arith.constant 1 : i32
    %ge3A_120 = vector.broadcast %ge3A_119 : i32 to vector<16x128x1xi32>
    %ge3A_121 = arith.cmpi sge, %add3A_118, %ge3A_120 : vector<16x128x1xi32>
    %lt3A_122 = vector.broadcast %broadcast_in_dim3A : vector<16x1x1xi32> to vector<16x128x1xi32>
    %lt3A_123 = arith.cmpi slt, %add3A_118, %lt3A_122 : vector<16x128x1xi32>
    %and3A_124 = arith.andi %ge3A_121, %lt3A_123 : vector<16x128x1xi1>
    %jit3A_125 = arith.constant 0.000000e+00 : f32
    %broadcast_in_dim3A_126 = vector.broadcast %jit3A_125 : f32 to vector<16x128x1xf32>
    %select_n3A_127 = arith.select %and3A_124, %broadcast_in_dim3A_93, %broadcast_in_dim3A_126 : vector<16x128x1xi1>, vector<16x128x1xf32>
    %reduce_sum3A_128 = arith.constant dense<0.000000e+00> : vector<16x1xf32>
    %reduce_sum3A_129 = vector.multi_reduction <add>, %select_n3A_127, %reduce_sum3A_128 [1] : vector<16x128x1xf32> to vector<16x1xf32>
    %add3A_130 = arith.addf %broadcast_in_dim3A_13, %reduce_sum3A_129 : vector<16x1xf32>
    %get3A_131 = arith.constant 0 : index
    %get3A_132 = arith.constant 384 : index
    %get3A_133 = arith.constant 0 : index
    %get3A_134 = vector.load %arg0[%get3A_131, %get3A_132, %get3A_133] : memref<16x512x64xf32, #tpu.memory_space<vmem>>, vector<16x128x64xf32>
    %reduce_max3A_135 = arith.constant dense<0xFF800000> : vector<16x128xf32>
    %reduce_max3A_136 = vector.multi_reduction <maximumf>, %get3A_134, %reduce_max3A_135 [2] : vector<16x128x64xf32> to vector<16x128xf32>
    %broadcast_in_dim3A_137 = vector.shape_cast %reduce_max3A_136 : vector<16x128xf32> to vector<16x128x1xf32>
    %sub3A_138 = vector.broadcast %broadcast_in_dim3A_137 : vector<16x128x1xf32> to vector<16x128x64xf32>
    %sub3A_139 = arith.subf %get3A_134, %sub3A_138 : vector<16x128x64xf32>
    %exp3A_140 = math.exp %sub3A_139 : vector<16x128x64xf32>
    %swap3A_141 = arith.constant 0 : index
    %swap3A_142 = arith.constant 384 : index
    %swap3A_143 = arith.constant 0 : index
    %swap3A_144 = vector.load %arg7[%swap3A_141, %swap3A_142, %swap3A_143] : memref<16x512x64xf32, #tpu.memory_space<vmem>>, vector<16x128x64xf32>
    tpu.vector_store %arg7[%swap3A_141, %swap3A_142, %swap3A_143], %exp3A_140 {strides = array<i32>} : memref<16x512x64xf32, #tpu.memory_space<vmem>>, vector<16x128x64xf32>,
    %reshape3A_145 = vector.shape_cast %exp3A_140 : vector<16x128x64xf32> to vector<4x4x128x64xf32>
    %slice3A_146 = vector.extract_strided_slice %reshape3A_145 {offsets = [0, 0, 0, 0], sizes = [1, 4, 128, 64], strides = [1, 1, 1, 1]} : vector<4x4x128x64xf32> to vector<1x4x128x64xf32>
    %squeeze3A_147 = vector.shape_cast %slice3A_146 : vector<1x4x128x64xf32> to vector<4x128x64xf32>
    %slice3A_148 = vector.extract_strided_slice %reshape3A_145 {offsets = [1, 0, 0, 0], sizes = [1, 4, 128, 64], strides = [1, 1, 1, 1]} : vector<4x4x128x64xf32> to vector<1x4x128x64xf32>
    %squeeze3A_149 = vector.shape_cast %slice3A_148 : vector<1x4x128x64xf32> to vector<4x128x64xf32>
    %slice3A_150 = vector.extract_strided_slice %reshape3A_145 {offsets = [2, 0, 0, 0], sizes = [1, 4, 128, 64], strides = [1, 1, 1, 1]} : vector<4x4x128x64xf32> to vector<1x4x128x64xf32>
    %squeeze3A_151 = vector.shape_cast %slice3A_150 : vector<1x4x128x64xf32> to vector<4x128x64xf32>
    %slice3A_152 = vector.extract_strided_slice %reshape3A_145 {offsets = [3, 0, 0, 0], sizes = [1, 4, 128, 64], strides = [1, 1, 1, 1]} : vector<4x4x128x64xf32> to vector<1x4x128x64xf32>
    %squeeze3A_153 = vector.shape_cast %slice3A_152 : vector<1x4x128x64xf32> to vector<4x128x64xf32>
    %concatenate3A_154 = tpu.concatenate %squeeze3A_147, %squeeze3A_149, %squeeze3A_151, %squeeze3A_153 in 2 : vector<4x128x64xf32>, vector<4x128x64xf32>, vector<4x128x64xf32>, vector<4x128x64xf32> -> vector<4x128x256xf32>
    %swap3A_155 = arith.constant 0 : index
    %swap3A_156 = arith.constant 384 : index
    %swap3A_157 = arith.constant 0 : index
    %swap3A_158 = vector.load %arg8[%swap3A_155, %swap3A_156, %swap3A_157] : memref<4x512x256xf32, #tpu.memory_space<vmem>>, vector<4x128x256xf32>
    tpu.vector_store %arg8[%swap3A_155, %swap3A_156, %swap3A_157], %concatenate3A_154 {strides = array<i32>} : memref<4x512x256xf32, #tpu.memory_space<vmem>>, vector<4x128x256xf32>,
    %iota3A_159 = tpu.iota {dimensions = array<i32: 1>} : vector<16x128x1xi32>
    %add3A_160 = arith.constant 384 : i32
    %add3A_161 = vector.broadcast %add3A_160 : i32 to vector<16x128x1xi32>
    %add3A_162 = arith.addi %iota3A_159, %add3A_161 : vector<16x128x1xi32>
    %ge3A_163 = arith.constant 1 : i32
    %ge3A_164 = vector.broadcast %ge3A_163 : i32 to vector<16x128x1xi32>
    %ge3A_165 = arith.cmpi sge, %add3A_162, %ge3A_164 : vector<16x128x1xi32>
    %lt3A_166 = vector.broadcast %broadcast_in_dim3A : vector<16x1x1xi32> to vector<16x128x1xi32>
    %lt3A_167 = arith.cmpi slt, %add3A_162, %lt3A_166 : vector<16x128x1xi32>
    %and3A_168 = arith.andi %ge3A_165, %lt3A_167 : vector<16x128x1xi1>
    %jit3A_169 = arith.constant 0.000000e+00 : f32
    %broadcast_in_dim3A_170 = vector.broadcast %jit3A_169 : f32 to vector<16x128x1xf32>
    %select_n3A_171 = arith.select %and3A_168, %broadcast_in_dim3A_137, %broadcast_in_dim3A_170 : vector<16x128x1xi1>, vector<16x128x1xf32>
    %reduce_sum3A_172 = arith.constant dense<0.000000e+00> : vector<16x1xf32>
    %reduce_sum3A_173 = vector.multi_reduction <add>, %select_n3A_171, %reduce_sum3A_172 [1] : vector<16x128x1xf32> to vector<16x1xf32>
    %add3A_174 = arith.addf %add3A_130, %reduce_sum3A_173 : vector<16x1xf32>
    %get3A_175 = arith.constant 0 : index
    %get3A_176 = arith.constant 0 : index
    %get3A_177 = vector.load %arg3[%get3A_175, %get3A_176] : memref<1x64xf32, #tpu.memory_space<vmem>>, vector<1x64xf32>
    %get3A_178 = arith.constant 0 : index
    %get3A_179 = arith.constant 0 : index
    %get3A_180 = arith.constant 0 : index
    %get3A_181 = vector.load %arg0[%get3A_178, %get3A_179, %get3A_180] : memref<16x512x64xf32, #tpu.memory_space<vmem>>, vector<16x1x64xf32>
    %get3A_182 = vector.shape_cast %get3A_181 : vector<16x1x64xf32> to vector<16x64xf32>
    %add3A_183 = vector.broadcast %get3A_177 : vector<1x64xf32> to vector<16x64xf32>
    %add3A_184 = arith.addf %add3A_183, %get3A_182 : vector<16x64xf32>
    %reduce_max3A_185 = arith.constant dense<0xFF800000> : vector<16xf32>
    %reduce_max3A_186 = vector.multi_reduction <maximumf>, %add3A_184, %reduce_max3A_185 [1] : vector<16x64xf32> to vector<16xf32>
    %broadcast_in_dim3A_187 = vector.shape_cast %reduce_max3A_186 : vector<16xf32> to vector<16x1xf32>
    %sub3A_188 = vector.broadcast %broadcast_in_dim3A_187 : vector<16x1xf32> to vector<16x64xf32>
    %sub3A_189 = arith.subf %add3A_184, %sub3A_188 : vector<16x64xf32>
    %exp3A_190 = math.exp %sub3A_189 : vector<16x64xf32>
    %add3A_191 = arith.addf %broadcast_in_dim3A_187, %add3A_86 : vector<16x1xf32>
    %get3A_192 = arith.constant 0 : index
    %get3A_193 = arith.constant 0 : index
    %get3A_194 = vector.load %arg4[%get3A_192, %get3A_193] : memref<1x64xf32, #tpu.memory_space<vmem>>, vector<1x64xf32>
    %reduce_max3A_195 = vector.shape_cast %get3A_194 : vector<1x64xf32> to vector<1x1x64xf32>
    %reduce_max3A_196 = arith.constant dense<0xFF800000> : vector<1xf32>
    %reduce_max3A_197 = vector.multi_reduction <maximumf>, %reduce_max3A_195, %reduce_max3A_196 [1, 2] : vector<1x1x64xf32> to vector<1xf32>
    %reduce_max3A_198 = vector.shape_cast %reduce_max3A_197 : vector<1xf32> to vector<1x1x1xf32>
    %reduce_max3A_199 = vector.extract %reduce_max3A_198[0, 0, 0] : f32 from vector<1x1x1xf32>
    %sub3A_200 = vector.broadcast %reduce_max3A_199 : f32 to vector<1x64xf32>
    %sub3A_201 = arith.subf %get3A_194, %sub3A_200 : vector<1x64xf32>
    %exp3A_202 = math.exp %sub3A_201 : vector<1x64xf32>
    %broadcast_in_dim3A_203 = vector.shape_cast %exp3A_202 : vector<1x64xf32> to vector<1x64xf32>
    %broadcast_in_dim3A_204 = vector.broadcast %broadcast_in_dim3A_203 : vector<1x64xf32> to vector<16x64xf32>
    %add3A_205 = vector.broadcast %reduce_max3A_199 : f32 to vector<16x1xf32>
    %add3A_206 = arith.addf %add3A_205, %add3A_174 : vector<16x1xf32>
    %get3A_207 = arith.constant 0 : index
    %get3A_208 = arith.constant 0 : index
    %get3A_209 = vector.load %arg1[%get3A_207, %get3A_208] : memref<64x64xf32, #tpu.memory_space<vmem>>, vector<64x64xf32>
    %exp3A_210 = math.exp %get3A_209 : vector<64x64xf32>
    %broadcast_in_dim3A_211 = vector.shape_cast %exp3A_210 : vector<64x64xf32> to vector<1x64x1x64xf32>
    %broadcast_in_dim3A_212 = vector.shape_cast %broadcast_in_dim3A_211 : vector<1x64x1x64xf32> to vector<1x64x1x64xf32>
    %broadcast_in_dim3A_213 = vector.broadcast %broadcast_in_dim3A_212 : vector<1x64x1x64xf32> to vector<4x64x4x64xf32>
    %iota3A_214 = tpu.iota {dimensions = array<i32: 0>} : vector<4x1x4x1xi32>
    %iota3A_215 = tpu.iota {dimensions = array<i32: 2>} : vector<4x1x4x1xi32>
    %eq3A = arith.cmpi eq, %iota3A_214, %iota3A_215 : vector<4x1x4x1xi32>
    %convert_element_type3A_216 = arith.extui %eq3A : vector<4x1x4x1xi1> to vector<4x1x4x1xi32>
    %convert_element_type3A_217 = arith.sitofp %convert_element_type3A_216 : vector<4x1x4x1xi32> to vector<4x1x4x1xf32>
    %mul3A = vector.broadcast %convert_element_type3A_217 : vector<4x1x4x1xf32> to vector<4x64x4x64xf32>
    %mul3A_218 = arith.mulf %broadcast_in_dim3A_213, %mul3A : vector<4x64x4x64xf32>
    %reshape3A_219 = vector.shape_cast %mul3A_218 : vector<4x64x4x64xf32> to vector<256x256xf32>
    %convert_element_type3A_220 = arith.truncf %reshape3A_219 : vector<256x256xf32> to vector<256x256xbf16>
    %iota3A_221 = tpu.iota {dimensions = array<i32: 1>} : vector<4x64x256xi32>
    %iota3A_222 = tpu.iota {dimensions = array<i32: 2>} : vector<4x64x256xi32>
    %jit3A_223 = arith.constant 64 : i32
    %eq3A_224 = arith.constant 0 : i32
    %eq3A_225 = arith.cmpi eq, %jit3A_223, %eq3A_224 : i32
    %jit3A_226 = arith.constant 1 : i32
    %select_n3A_227 = arith.select %eq3A_225, %jit3A_226, %jit3A_223 : i32
    %rem3A = vector.broadcast %select_n3A_227 : i32 to vector<4x64x256xi32>
    %rem3A_228 = arith.remsi %iota3A_222, %rem3A : vector<4x64x256xi32>
    %ne3A = arith.constant 0 : i32
    %ne3A_229 = vector.broadcast %ne3A : i32 to vector<4x64x256xi32>
    %ne3A_230 = arith.cmpi ne, %rem3A_228, %ne3A_229 : vector<4x64x256xi32>
    %lt3A_231 = arith.constant 0 : i32
    %lt3A_232 = vector.broadcast %lt3A_231 : i32 to vector<4x64x256xi32>
    %lt3A_233 = arith.cmpi slt, %rem3A_228, %lt3A_232 : vector<4x64x256xi32>
    %lt3A_234 = arith.constant 0 : i32
    %lt3A_235 = arith.cmpi slt, %select_n3A_227, %lt3A_234 : i32
    %ne3A_236 = vector.broadcast %lt3A_235 : i1 to vector<4x64x256xi1>
    %ne3A_237 = vector.broadcast %ne3A_236 : vector<4x64x256xi1> to vector<4x64x256xi1>
    %ne3A_238 = arith.xori %lt3A_233, %ne3A_237 : vector<4x64x256xi1>
    %and3A_239 = arith.andi %ne3A_238, %ne3A_230 : vector<4x64x256xi1>
    %add3A_240 = vector.broadcast %select_n3A_227 : i32 to vector<4x64x256xi32>
    %add3A_241 = arith.addi %rem3A_228, %add3A_240 : vector<4x64x256xi32>
    %select_n3A_242 = arith.select %and3A_239, %add3A_241, %rem3A_228 : vector<4x64x256xi1>, vector<4x64x256xi32>
    %eq3A_243 = arith.cmpi eq, %select_n3A_242, %iota3A_221 : vector<4x64x256xi32>
    %convert_element_type3A_244 = arith.extui %eq3A_243 : vector<4x64x256xi1> to vector<4x64x256xi32>
    %convert_element_type3A_245 = arith.sitofp %convert_element_type3A_244 : vector<4x64x256xi32> to vector<4x64x256xf32>
    %broadcast_in_dim3A_246 = vector.shape_cast %get3A_9 : vector<16x1xi32> to vector<16x1xi32>
    %broadcast_in_dim3A_247 = vector.broadcast %broadcast_in_dim3A_246 : vector<16x1xi32> to vector<16x64xi32>
    %reshape3A_248 = vector.shape_cast %broadcast_in_dim3A_247 : vector<16x64xi32> to vector<4x4x64xi32>
    %slice3A_249 = vector.extract_strided_slice %reshape3A_248 {offsets = [0, 0, 0], sizes = [1, 4, 64], strides = [1, 1, 1]} : vector<4x4x64xi32> to vector<1x4x64xi32>
    %squeeze3A_250 = vector.shape_cast %slice3A_249 : vector<1x4x64xi32> to vector<4x64xi32>
    %slice3A_251 = vector.extract_strided_slice %reshape3A_248 {offsets = [1, 0, 0], sizes = [1, 4, 64], strides = [1, 1, 1]} : vector<4x4x64xi32> to vector<1x4x64xi32>
    %squeeze3A_252 = vector.shape_cast %slice3A_251 : vector<1x4x64xi32> to vector<4x64xi32>
    %slice3A_253 = vector.extract_strided_slice %reshape3A_248 {offsets = [2, 0, 0], sizes = [1, 4, 64], strides = [1, 1, 1]} : vector<4x4x64xi32> to vector<1x4x64xi32>
    %squeeze3A_254 = vector.shape_cast %slice3A_253 : vector<1x4x64xi32> to vector<4x64xi32>
    %slice3A_255 = vector.extract_strided_slice %reshape3A_248 {offsets = [3, 0, 0], sizes = [1, 4, 64], strides = [1, 1, 1]} : vector<4x4x64xi32> to vector<1x4x64xi32>
    %squeeze3A_256 = vector.shape_cast %slice3A_255 : vector<1x4x64xi32> to vector<4x64xi32>
    %concatenate3A_257 = tpu.concatenate %squeeze3A_250, %squeeze3A_252, %squeeze3A_254, %squeeze3A_256 in 1 : vector<4x64xi32>, vector<4x64xi32>, vector<4x64xi32>, vector<4x64xi32> -> vector<4x256xi32>
    %broadcast_in_dim3A_258 = vector.shape_cast %concatenate3A_257 : vector<4x256xi32> to vector<4x1x256xi32>
    %broadcast_in_dim3A_259 = arith.constant 0.000000e+00 : f32
    %broadcast_in_dim3A_260 = vector.broadcast %broadcast_in_dim3A_259 : f32 to vector<16x1xf32>
    %broadcast_in_dim3A_261 = arith.constant 0.000000e+00 : f32
    %broadcast_in_dim3A_262 = vector.broadcast %broadcast_in_dim3A_261 : f32 to vector<16x1xf32>
    %scan3A = arith.constant 0 : i32
    %scan3A_263 = arith.constant 16 : i32
    %scan3A_264 = arith.addi %scan3A, %scan3A_263 : i32
    %scan3A_265 = arith.constant 1 : i32
    %scan3A_266:8 = scf.for %scan3A_542 = %scan3A to %scan3A_264 step %scan3A_265 iter_args(%scan3A_543 = %exp3A_190, %scan3A_544 = %add3A_191, %scan3A_545 = %broadcast_in_dim3A_204, %scan3A_546 = %add3A_206, %scan3A_547 = %convert_element_type3A_245, %scan3A_548 = %broadcast_in_dim3A_260, %scan3A_549 = %convert_element_type3A_245, %scan3A_550 = %broadcast_in_dim3A_262) -> (vector<16x64xf32>, vector<16x1xf32>, vector<16x64xf32>, vector<16x1xf32>, vector<4x64x256xf32>, vector<16x1xf32>, vector<4x64x256xf32>, vector<16x1xf32>)  : i32 {
      %mul3A_551 = arith.constant 8 : i32
      %mul3A_552 = arith.muli %mul3A_551, %scan3A_542 : i32
      %add3A_553 = arith.constant 0 : i32
      %add3A_554 = arith.addi %mul3A_552, %add3A_553 : i32
      %get3A_555 = arith.constant 0 : index
      %get3A_556 = arith.index_cast %add3A_554 : i32 to index
      %get3A_557 = arith.constant 0 : index
      %get3A_558 = vector.load %arg7[%get3A_555, %get3A_556, %get3A_557] : memref<16x512x64xf32, #tpu.memory_space<vmem>>, vector<16x1x64xf32>
      %get3A_559 = vector.shape_cast %get3A_558 : vector<16x1x64xf32> to vector<16x64xf32>
      %convert_element_type3A_560 = arith.truncf %scan3A_543 : vector<16x64xf32> to vector<16x64xbf16>
      %dot_general3A_561 = arith.constant dense<0.000000e+00> : vector<16x64xf32>
      %dot_general3A_562 = tpu.matmul %convert_element_type3A_560, %convert_element_type3A, %dot_general3A_561 {dimension_numbers = #tpu.dot_dimension_numbers<[1], [0], [0], [1], [0, 0, 1, 1], [], []>, transpose_lhs_hint = false} : vector<16x64xbf16>, vector<64x64xbf16>, vector<16x64xf32> -> vector<16x64xf32>
      %mul3A_563 = arith.mulf %dot_general3A_562, %get3A_559 : vector<16x64xf32>
      %lt3A_564 = vector.broadcast %add3A_554 : i32 to vector<16x1xi32>
      %lt3A_565 = arith.cmpi slt, %lt3A_564, %get3A_9 : vector<16x1xi32>
      %ge3A_566 = arith.constant 1 : i32
      %ge3A_567 = arith.cmpi sge, %add3A_554, %ge3A_566 : i32
      %and3A_568 = vector.broadcast %ge3A_567 : i1 to vector<16x1xi1>
      %and3A_569 = arith.andi %lt3A_565, %and3A_568 : vector<16x1xi1>
      %broadcast_in_dim3A_570 = vector.shape_cast %and3A_569 : vector<16x1xi1> to vector<16x1xi1>
      %broadcast_in_dim3A_571 = vector.broadcast %broadcast_in_dim3A_570 : vector<16x1xi1> to vector<16x64xi1>
      %select_n3A_572 = arith.select %broadcast_in_dim3A_571, %mul3A_563, %scan3A_543 : vector<16x64xi1>, vector<16x64xf32>
      %mul3A_573 = arith.constant 8 : i32
      %mul3A_574 = arith.muli %mul3A_573, %scan3A_542 : i32
      %sub3A_575 = arith.constant 511 : i32
      %sub3A_576 = arith.subi %sub3A_575, %mul3A_574 : i32
      %sub3A_577 = arith.constant 0 : i32
      %sub3A_578 = arith.subi %sub3A_576, %sub3A_577 : i32
      %get3A_579 = arith.constant 0 : index
      %get3A_580 = arith.index_cast %sub3A_578 : i32 to index
      %get3A_581 = arith.constant 0 : index
      %get3A_582 = vector.load %arg7[%get3A_579, %get3A_580, %get3A_581] : memref<16x512x64xf32, #tpu.memory_space<vmem>>, vector<16x1x64xf32>
      %get3A_583 = vector.shape_cast %get3A_582 : vector<16x1x64xf32> to vector<16x64xf32>
      %mul3A_584 = arith.mulf %scan3A_545, %get3A_583 : vector<16x64xf32>
      %convert_element_type3A_585 = arith.truncf %mul3A_584 : vector<16x64xf32> to vector<16x64xbf16>
      %dot_general3A_586 = arith.constant dense<0.000000e+00> : vector<16x64xf32>
      %dot_general3A_587 = tpu.matmul %convert_element_type3A_585, %convert_element_type3A_6, %dot_general3A_586 {dimension_numbers = #tpu.dot_dimension_numbers<[1], [0], [0], [1], [0, 0, 1, 1], [], []>, transpose_lhs_hint = false} : vector<16x64xbf16>, vector<64x64xbf16>, vector<16x64xf32> -> vector<16x64xf32>
      %lt3A_588 = vector.broadcast %sub3A_578 : i32 to vector<16x1xi32>
      %lt3A_589 = arith.cmpi slt, %lt3A_588, %get3A_9 : vector<16x1xi32>
      %broadcast_in_dim3A_590 = vector.shape_cast %lt3A_589 : vector<16x1xi1> to vector<16x1xi1>
      %broadcast_in_dim3A_591 = vector.broadcast %broadcast_in_dim3A_590 : vector<16x1xi1> to vector<16x64xi1>
      %select_n3A_592 = arith.select %broadcast_in_dim3A_591, %dot_general3A_587, %scan3A_545 : vector<16x64xi1>, vector<16x64xf32>
      %mul3A_593 = arith.constant 8 : i32
      %mul3A_594 = arith.muli %mul3A_593, %scan3A_542 : i32
      %add3A_595 = arith.constant 128 : i32
      %add3A_596 = arith.addi %add3A_595, %mul3A_594 : i32
      %add3A_597 = arith.constant 0 : i32
      %add3A_598 = arith.addi %add3A_596, %add3A_597 : i32
      %reshape3A_599 = vector.shape_cast %scan3A_547 : vector<4x64x256xf32> to vector<256x256xf32>
      %convert_element_type3A_600 = arith.truncf %reshape3A_599 : vector<256x256xf32> to vector<256x256xbf16>
      %dot_general3A_601 = arith.constant dense<0.000000e+00> : vector<256x256xf32>
      %dot_general3A_602 = tpu.matmul %convert_element_type3A_600, %convert_element_type3A_220, %dot_general3A_601 {dimension_numbers = #tpu.dot_dimension_numbers<[1], [0], [0], [1], [0, 0, 1, 1], [], []>, transpose_lhs_hint = false} : vector<256x256xbf16>, vector<256x256xbf16>, vector<256x256xf32> -> vector<256x256xf32>
      %reshape3A_603 = vector.shape_cast %dot_general3A_602 : vector<256x256xf32> to vector<4x64x256xf32>
      %get3A_604 = arith.constant 0 : index
      %get3A_605 = arith.index_cast %add3A_598 : i32 to index
      %get3A_606 = arith.constant 0 : index
      %get3A_607 = vector.load %arg8[%get3A_604, %get3A_605, %get3A_606] : memref<4x512x256xf32, #tpu.memory_space<vmem>>, vector<4x1x256xf32>
      %get3A_608 = vector.shape_cast %get3A_607 : vector<4x1x256xf32> to vector<4x256xf32>
      %broadcast_in_dim3A_609 = vector.shape_cast %get3A_608 : vector<4x256xf32> to vector<4x1x256xf32>
      %mul3A_610 = vector.broadcast %broadcast_in_dim3A_609 : vector<4x1x256xf32> to vector<4x64x256xf32>
      %mul3A_611 = arith.mulf %reshape3A_603, %mul3A_610 : vector<4x64x256xf32>
      %lt3A_612 = vector.broadcast %add3A_598 : i32 to vector<4x1x256xi32>
      %lt3A_613 = arith.cmpi slt, %lt3A_612, %broadcast_in_dim3A_258 : vector<4x1x256xi32>
      %broadcast_in_dim3A_614 = vector.shape_cast %lt3A_613 : vector<4x1x256xi1> to vector<4x1x256xi1>
      %broadcast_in_dim3A_615 = vector.broadcast %broadcast_in_dim3A_614 : vector<4x1x256xi1> to vector<4x64x256xi1>
      %select_n3A_616 = arith.select %broadcast_in_dim3A_615, %mul3A_611, %scan3A_547 : vector<4x64x256xi1>, vector<4x64x256xf32>
      %mul3A_617 = arith.constant 8 : i32
      %mul3A_618 = arith.muli %mul3A_617, %scan3A_542 : i32
      %add3A_619 = arith.constant 256 : i32
      %add3A_620 = arith.addi %add3A_619, %mul3A_618 : i32
      %add3A_621 = arith.constant 0 : i32
      %add3A_622 = arith.addi %add3A_620, %add3A_621 : i32
      %reshape3A_623 = vector.shape_cast %scan3A_549 : vector<4x64x256xf32> to vector<256x256xf32>
      %convert_element_type3A_624 = arith.truncf %reshape3A_623 : vector<256x256xf32> to vector<256x256xbf16>
      %dot_general3A_625 = arith.constant dense<0.000000e+00> : vector<256x256xf32>
      %dot_general3A_626 = tpu.matmul %convert_element_type3A_624, %convert_element_type3A_220, %dot_general3A_625 {dimension_numbers = #tpu.dot_dimension_numbers<[1], [0], [0], [1], [0, 0, 1, 1], [], []>, transpose_lhs_hint = false} : vector<256x256xbf16>, vector<256x256xbf16>, vector<256x256xf32> -> vector<256x256xf32>
      %reshape3A_627 = vector.shape_cast %dot_general3A_626 : vector<256x256xf32> to vector<4x64x256xf32>
      %get3A_628 = arith.constant 0 : index
      %get3A_629 = arith.index_cast %add3A_622 : i32 to index
      %get3A_630 = arith.constant 0 : index
      %get3A_631 = vector.load %arg8[%get3A_628, %get3A_629, %get3A_630] : memref<4x512x256xf32, #tpu.memory_space<vmem>>, vector<4x1x256xf32>
      %get3A_632 = vector.shape_cast %get3A_631 : vector<4x1x256xf32> to vector<4x256xf32>
      %broadcast_in_dim3A_633 = vector.shape_cast %get3A_632 : vector<4x256xf32> to vector<4x1x256xf32>
      %mul3A_634 = vector.broadcast %broadcast_in_dim3A_633 : vector<4x1x256xf32> to vector<4x64x256xf32>
      %mul3A_635 = arith.mulf %reshape3A_627, %mul3A_634 : vector<4x64x256xf32>
      %lt3A_636 = vector.broadcast %add3A_622 : i32 to vector<4x1x256xi32>
      %lt3A_637 = arith.cmpi slt, %lt3A_636, %broadcast_in_dim3A_258 : vector<4x1x256xi32>
      %broadcast_in_dim3A_638 = vector.shape_cast %lt3A_637 : vector<4x1x256xi1> to vector<4x1x256xi1>
      %broadcast_in_dim3A_639 = vector.broadcast %broadcast_in_dim3A_638 : vector<4x1x256xi1> to vector<4x64x256xi1>
      %select_n3A_640 = arith.select %broadcast_in_dim3A_639, %mul3A_635, %scan3A_549 : vector<4x64x256xi1>, vector<4x64x256xf32>
      %mul3A_641 = arith.constant 8 : i32
      %mul3A_642 = arith.muli %mul3A_641, %scan3A_542 : i32
      %add3A_643 = arith.constant 1 : i32
      %add3A_644 = arith.addi %mul3A_642, %add3A_643 : i32
      %get3A_645 = arith.constant 0 : index
      %get3A_646 = arith.index_cast %add3A_644 : i32 to index
      %get3A_647 = arith.constant 0 : index
      %get3A_648 = vector.load %arg7[%get3A_645, %get3A_646, %get3A_647] : memref<16x512x64xf32, #tpu.memory_space<vmem>>, vector<16x1x64xf32>
      %get3A_649 = vector.shape_cast %get3A_648 : vector<16x1x64xf32> to vector<16x64xf32>
      %convert_element_type3A_650 = arith.truncf %select_n3A_572 : vector<16x64xf32> to vector<16x64xbf16>
      %dot_general3A_651 = arith.constant dense<0.000000e+00> : vector<16x64xf32>
      %dot_general3A_652 = tpu.matmul %convert_element_type3A_650, %convert_element_type3A, %dot_general3A_651 {dimension_numbers = #tpu.dot_dimension_numbers<[1], [0], [0], [1], [0, 0, 1, 1], [], []>, transpose_lhs_hint = false} : vector<16x64xbf16>, vector<64x64xbf16>, vector<16x64xf32> -> vector<16x64xf32>
      %mul3A_653 = arith.mulf %dot_general3A_652, %get3A_649 : vector<16x64xf32>
      %lt3A_654 = vector.broadcast %add3A_644 : i32 to vector<16x1xi32>
      %lt3A_655 = arith.cmpi slt, %lt3A_654, %get3A_9 : vector<16x1xi32>
      %ge3A_656 = arith.constant 1 : i32
      %ge3A_657 = arith.cmpi sge, %add3A_644, %ge3A_656 : i32
      %and3A_658 = vector.broadcast %ge3A_657 : i1 to vector<16x1xi1>
      %and3A_659 = arith.andi %lt3A_655, %and3A_658 : vector<16x1xi1>
      %broadcast_in_dim3A_660 = vector.shape_cast %and3A_659 : vector<16x1xi1> to vector<16x1xi1>
      %broadcast_in_dim3A_661 = vector.broadcast %broadcast_in_dim3A_660 : vector<16x1xi1> to vector<16x64xi1>
      %select_n3A_662 = arith.select %broadcast_in_dim3A_661, %mul3A_653, %select_n3A_572 : vector<16x64xi1>, vector<16x64xf32>
      %mul3A_663 = arith.constant 8 : i32
      %mul3A_664 = arith.muli %mul3A_663, %scan3A_542 : i32
      %sub3A_665 = arith.constant 511 : i32
      %sub3A_666 = arith.subi %sub3A_665, %mul3A_664 : i32
      %sub3A_667 = arith.constant 1 : i32
      %sub3A_668 = arith.subi %sub3A_666, %sub3A_667 : i32
      %get3A_669 = arith.constant 0 : index
      %get3A_670 = arith.index_cast %sub3A_668 : i32 to index
      %get3A_671 = arith.constant 0 : index
      %get3A_672 = vector.load %arg7[%get3A_669, %get3A_670, %get3A_671] : memref<16x512x64xf32, #tpu.memory_space<vmem>>, vector<16x1x64xf32>
      %get3A_673 = vector.shape_cast %get3A_672 : vector<16x1x64xf32> to vector<16x64xf32>
      %mul3A_674 = arith.mulf %select_n3A_592, %get3A_673 : vector<16x64xf32>
      %convert_element_type3A_675 = arith.truncf %mul3A_674 : vector<16x64xf32> to vector<16x64xbf16>
      %dot_general3A_676 = arith.constant dense<0.000000e+00> : vector<16x64xf32>
      %dot_general3A_677 = tpu.matmul %convert_element_type3A_675, %convert_element_type3A_6, %dot_general3A_676 {dimension_numbers = #tpu.dot_dimension_numbers<[1], [0], [0], [1], [0, 0, 1, 1], [], []>, transpose_lhs_hint = false} : vector<16x64xbf16>, vector<64x64xbf16>, vector<16x64xf32> -> vector<16x64xf32>
      %lt3A_678 = vector.broadcast %sub3A_668 : i32 to vector<16x1xi32>
      %lt3A_679 = arith.cmpi slt, %lt3A_678, %get3A_9 : vector<16x1xi32>
      %broadcast_in_dim3A_680 = vector.shape_cast %lt3A_679 : vector<16x1xi1> to vector<16x1xi1>
      %broadcast_in_dim3A_681 = vector.broadcast %broadcast_in_dim3A_680 : vector<16x1xi1> to vector<16x64xi1>
      %select_n3A_682 = arith.select %broadcast_in_dim3A_681, %dot_general3A_677, %select_n3A_592 : vector<16x64xi1>, vector<16x64xf32>
      %mul3A_683 = arith.constant 8 : i32
      %mul3A_684 = arith.muli %mul3A_683, %scan3A_542 : i32
      %add3A_685 = arith.constant 128 : i32
      %add3A_686 = arith.addi %add3A_685, %mul3A_684 : i32
      %add3A_687 = arith.constant 1 : i32
      %add3A_688 = arith.addi %add3A_686, %add3A_687 : i32
      %reshape3A_689 = vector.shape_cast %select_n3A_616 : vector<4x64x256xf32> to vector<256x256xf32>
      %convert_element_type3A_690 = arith.truncf %reshape3A_689 : vector<256x256xf32> to vector<256x256xbf16>
      %dot_general3A_691 = arith.constant dense<0.000000e+00> : vector<256x256xf32>
      %dot_general3A_692 = tpu.matmul %convert_element_type3A_690, %convert_element_type3A_220, %dot_general3A_691 {dimension_numbers = #tpu.dot_dimension_numbers<[1], [0], [0], [1], [0, 0, 1, 1], [], []>, transpose_lhs_hint = false} : vector<256x256xbf16>, vector<256x256xbf16>, vector<256x256xf32> -> vector<256x256xf32>
      %reshape3A_693 = vector.shape_cast %dot_general3A_692 : vector<256x256xf32> to vector<4x64x256xf32>
      %get3A_694 = arith.constant 0 : index
      %get3A_695 = arith.index_cast %add3A_688 : i32 to index
      %get3A_696 = arith.constant 0 : index
      %get3A_697 = vector.load %arg8[%get3A_694, %get3A_695, %get3A_696] : memref<4x512x256xf32, #tpu.memory_space<vmem>>, vector<4x1x256xf32>
      %get3A_698 = vector.shape_cast %get3A_697 : vector<4x1x256xf32> to vector<4x256xf32>
      %broadcast_in_dim3A_699 = vector.shape_cast %get3A_698 : vector<4x256xf32> to vector<4x1x256xf32>
      %mul3A_700 = vector.broadcast %broadcast_in_dim3A_699 : vector<4x1x256xf32> to vector<4x64x256xf32>
      %mul3A_701 = arith.mulf %reshape3A_693, %mul3A_700 : vector<4x64x256xf32>
      %lt3A_702 = vector.broadcast %add3A_688 : i32 to vector<4x1x256xi32>
      %lt3A_703 = arith.cmpi slt, %lt3A_702, %broadcast_in_dim3A_258 : vector<4x1x256xi32>
      %broadcast_in_dim3A_704 = vector.shape_cast %lt3A_703 : vector<4x1x256xi1> to vector<4x1x256xi1>
      %broadcast_in_dim3A_705 = vector.broadcast %broadcast_in_dim3A_704 : vector<4x1x256xi1> to vector<4x64x256xi1>
      %select_n3A_706 = arith.select %broadcast_in_dim3A_705, %mul3A_701, %select_n3A_616 : vector<4x64x256xi1>, vector<4x64x256xf32>
      %mul3A_707 = arith.constant 8 : i32
      %mul3A_708 = arith.muli %mul3A_707, %scan3A_542 : i32
      %add3A_709 = arith.constant 256 : i32
      %add3A_710 = arith.addi %add3A_709, %mul3A_708 : i32
      %add3A_711 = arith.constant 1 : i32
      %add3A_712 = arith.addi %add3A_710, %add3A_711 : i32
      %reshape3A_713 = vector.shape_cast %select_n3A_640 : vector<4x64x256xf32> to vector<256x256xf32>
      %convert_element_type3A_714 = arith.truncf %reshape3A_713 : vector<256x256xf32> to vector<256x256xbf16>
      %dot_general3A_715 = arith.constant dense<0.000000e+00> : vector<256x256xf32>
      %dot_general3A_716 = tpu.matmul %convert_element_type3A_714, %convert_element_type3A_220, %dot_general3A_715 {dimension_numbers = #tpu.dot_dimension_numbers<[1], [0], [0], [1], [0, 0, 1, 1], [], []>, transpose_lhs_hint = false} : vector<256x256xbf16>, vector<256x256xbf16>, vector<256x256xf32> -> vector<256x256xf32>
      %reshape3A_717 = vector.shape_cast %dot_general3A_716 : vector<256x256xf32> to vector<4x64x256xf32>
      %get3A_718 = arith.constant 0 : index
      %get3A_719 = arith.index_cast %add3A_712 : i32 to index
      %get3A_720 = arith.constant 0 : index
      %get3A_721 = vector.load %arg8[%get3A_718, %get3A_719, %get3A_720] : memref<4x512x256xf32, #tpu.memory_space<vmem>>, vector<4x1x256xf32>
      %get3A_722 = vector.shape_cast %get3A_721 : vector<4x1x256xf32> to vector<4x256xf32>
      %broadcast_in_dim3A_723 = vector.shape_cast %get3A_722 : vector<4x256xf32> to vector<4x1x256xf32>
      %mul3A_724 = vector.broadcast %broadcast_in_dim3A_723 : vector<4x1x256xf32> to vector<4x64x256xf32>
      %mul3A_725 = arith.mulf %reshape3A_717, %mul3A_724 : vector<4x64x256xf32>
      %lt3A_726 = vector.broadcast %add3A_712 : i32 to vector<4x1x256xi32>
      %lt3A_727 = arith.cmpi slt, %lt3A_726, %broadcast_in_dim3A_258 : vector<4x1x256xi32>
      %broadcast_in_dim3A_728 = vector.shape_cast %lt3A_727 : vector<4x1x256xi1> to vector<4x1x256xi1>
      %broadcast_in_dim3A_729 = vector.broadcast %broadcast_in_dim3A_728 : vector<4x1x256xi1> to vector<4x64x256xi1>
      %select_n3A_730 = arith.select %broadcast_in_dim3A_729, %mul3A_725, %select_n3A_640 : vector<4x64x256xi1>, vector<4x64x256xf32>
      %mul3A_731 = arith.constant 8 : i32
      %mul3A_732 = arith.muli %mul3A_731, %scan3A_542 : i32
      %add3A_733 = arith.constant 2 : i32
      %add3A_734 = arith.addi %mul3A_732, %add3A_733 : i32
      %get3A_735 = arith.constant 0 : index
      %get3A_736 = arith.index_cast %add3A_734 : i32 to index
      %get3A_737 = arith.constant 0 : index
      %get3A_738 = vector.load %arg7[%get3A_735, %get3A_736, %get3A_737] : memref<16x512x64xf32, #tpu.memory_space<vmem>>, vector<16x1x64xf32>
      %get3A_739 = vector.shape_cast %get3A_738 : vector<16x1x64xf32> to vector<16x64xf32>
      %convert_element_type3A_740 = arith.truncf %select_n3A_662 : vector<16x64xf32> to vector<16x64xbf16>
      %dot_general3A_741 = arith.constant dense<0.000000e+00> : vector<16x64xf32>
      %dot_general3A_742 = tpu.matmul %convert_element_type3A_740, %convert_element_type3A, %dot_general3A_741 {dimension_numbers = #tpu.dot_dimension_numbers<[1], [0], [0], [1], [0, 0, 1, 1], [], []>, transpose_lhs_hint = false} : vector<16x64xbf16>, vector<64x64xbf16>, vector<16x64xf32> -> vector<16x64xf32>
      %mul3A_743 = arith.mulf %dot_general3A_742, %get3A_739 : vector<16x64xf32>
      %lt3A_744 = vector.broadcast %add3A_734 : i32 to vector<16x1xi32>
      %lt3A_745 = arith.cmpi slt, %lt3A_744, %get3A_9 : vector<16x1xi32>
      %ge3A_746 = arith.constant 1 : i32
      %ge3A_747 = arith.cmpi sge, %add3A_734, %ge3A_746 : i32
      %and3A_748 = vector.broadcast %ge3A_747 : i1 to vector<16x1xi1>
      %and3A_749 = arith.andi %lt3A_745, %and3A_748 : vector<16x1xi1>
      %broadcast_in_dim3A_750 = vector.shape_cast %and3A_749 : vector<16x1xi1> to vector<16x1xi1>
      %broadcast_in_dim3A_751 = vector.broadcast %broadcast_in_dim3A_750 : vector<16x1xi1> to vector<16x64xi1>
      %select_n3A_752 = arith.select %broadcast_in_dim3A_751, %mul3A_743, %select_n3A_662 : vector<16x64xi1>, vector<16x64xf32>
      %mul3A_753 = arith.constant 8 : i32
      %mul3A_754 = arith.muli %mul3A_753, %scan3A_542 : i32
      %sub3A_755 = arith.constant 511 : i32
      %sub3A_756 = arith.subi %sub3A_755, %mul3A_754 : i32
      %sub3A_757 = arith.constant 2 : i32
      %sub3A_758 = arith.subi %sub3A_756, %sub3A_757 : i32
      %get3A_759 = arith.constant 0 : index
      %get3A_760 = arith.index_cast %sub3A_758 : i32 to index
      %get3A_761 = arith.constant 0 : index
      %get3A_762 = vector.load %arg7[%get3A_759, %get3A_760, %get3A_761] : memref<16x512x64xf32, #tpu.memory_space<vmem>>, vector<16x1x64xf32>
      %get3A_763 = vector.shape_cast %get3A_762 : vector<16x1x64xf32> to vector<16x64xf32>
      %mul3A_764 = arith.mulf %select_n3A_682, %get3A_763 : vector<16x64xf32>
      %convert_element_type3A_765 = arith.truncf %mul3A_764 : vector<16x64xf32> to vector<16x64xbf16>
      %dot_general3A_766 = arith.constant dense<0.000000e+00> : vector<16x64xf32>
      %dot_general3A_767 = tpu.matmul %convert_element_type3A_765, %convert_element_type3A_6, %dot_general3A_766 {dimension_numbers = #tpu.dot_dimension_numbers<[1], [0], [0], [1], [0, 0, 1, 1], [], []>, transpose_lhs_hint = false} : vector<16x64xbf16>, vector<64x64xbf16>, vector<16x64xf32> -> vector<16x64xf32>
      %lt3A_768 = vector.broadcast %sub3A_758 : i32 to vector<16x1xi32>
      %lt3A_769 = arith.cmpi slt, %lt3A_768, %get3A_9 : vector<16x1xi32>
      %broadcast_in_dim3A_770 = vector.shape_cast %lt3A_769 : vector<16x1xi1> to vector<16x1xi1>
      %broadcast_in_dim3A_771 = vector.broadcast %broadcast_in_dim3A_770 : vector<16x1xi1> to vector<16x64xi1>
      %select_n3A_772 = arith.select %broadcast_in_dim3A_771, %dot_general3A_767, %select_n3A_682 : vector<16x64xi1>, vector<16x64xf32>
      %mul3A_773 = arith.constant 8 : i32
      %mul3A_774 = arith.muli %mul3A_773, %scan3A_542 : i32
      %add3A_775 = arith.constant 128 : i32
      %add3A_776 = arith.addi %add3A_775, %mul3A_774 : i32
      %add3A_777 = arith.constant 2 : i32
      %add3A_778 = arith.addi %add3A_776, %add3A_777 : i32
      %reshape3A_779 = vector.shape_cast %select_n3A_706 : vector<4x64x256xf32> to vector<256x256xf32>
      %convert_element_type3A_780 = arith.truncf %reshape3A_779 : vector<256x256xf32> to vector<256x256xbf16>
      %dot_general3A_781 = arith.constant dense<0.000000e+00> : vector<256x256xf32>
      %dot_general3A_782 = tpu.matmul %convert_element_type3A_780, %convert_element_type3A_220, %dot_general3A_781 {dimension_numbers = #tpu.dot_dimension_numbers<[1], [0], [0], [1], [0, 0, 1, 1], [], []>, transpose_lhs_hint = false} : vector<256x256xbf16>, vector<256x256xbf16>, vector<256x256xf32> -> vector<256x256xf32>
      %reshape3A_783 = vector.shape_cast %dot_general3A_782 : vector<256x256xf32> to vector<4x64x256xf32>
      %get3A_784 = arith.constant 0 : index
      %get3A_785 = arith.index_cast %add3A_778 : i32 to index
      %get3A_786 = arith.constant 0 : index
      %get3A_787 = vector.load %arg8[%get3A_784, %get3A_785, %get3A_786] : memref<4x512x256xf32, #tpu.memory_space<vmem>>, vector<4x1x256xf32>
      %get3A_788 = vector.shape_cast %get3A_787 : vector<4x1x256xf32> to vector<4x256xf32>
      %broadcast_in_dim3A_789 = vector.shape_cast %get3A_788 : vector<4x256xf32> to vector<4x1x256xf32>
      %mul3A_790 = vector.broadcast %broadcast_in_dim3A_789 : vector<4x1x256xf32> to vector<4x64x256xf32>
      %mul3A_791 = arith.mulf %reshape3A_783, %mul3A_790 : vector<4x64x256xf32>
      %lt3A_792 = vector.broadcast %add3A_778 : i32 to vector<4x1x256xi32>
      %lt3A_793 = arith.cmpi slt, %lt3A_792, %broadcast_in_dim3A_258 : vector<4x1x256xi32>
      %broadcast_in_dim3A_794 = vector.shape_cast %lt3A_793 : vector<4x1x256xi1> to vector<4x1x256xi1>
      %broadcast_in_dim3A_795 = vector.broadcast %broadcast_in_dim3A_794 : vector<4x1x256xi1> to vector<4x64x256xi1>
      %select_n3A_796 = arith.select %broadcast_in_dim3A_795, %mul3A_791, %select_n3A_706 : vector<4x64x256xi1>, vector<4x64x256xf32>
      %mul3A_797 = arith.constant 8 : i32
      %mul3A_798 = arith.muli %mul3A_797, %scan3A_542 : i32
      %add3A_799 = arith.constant 256 : i32
      %add3A_800 = arith.addi %add3A_799, %mul3A_798 : i32
      %add3A_801 = arith.constant 2 : i32
      %add3A_802 = arith.addi %add3A_800, %add3A_801 : i32
      %reshape3A_803 = vector.shape_cast %select_n3A_730 : vector<4x64x256xf32> to vector<256x256xf32>
      %convert_element_type3A_804 = arith.truncf %reshape3A_803 : vector<256x256xf32> to vector<256x256xbf16>
      %dot_general3A_805 = arith.constant dense<0.000000e+00> : vector<256x256xf32>
      %dot_general3A_806 = tpu.matmul %convert_element_type3A_804, %convert_element_type3A_220, %dot_general3A_805 {dimension_numbers = #tpu.dot_dimension_numbers<[1], [0], [0], [1], [0, 0, 1, 1], [], []>, transpose_lhs_hint = false} : vector<256x256xbf16>, vector<256x256xbf16>, vector<256x256xf32> -> vector<256x256xf32>
      %reshape3A_807 = vector.shape_cast %dot_general3A_806 : vector<256x256xf32> to vector<4x64x256xf32>
      %get3A_808 = arith.constant 0 : index
      %get3A_809 = arith.index_cast %add3A_802 : i32 to index
      %get3A_810 = arith.constant 0 : index
      %get3A_811 = vector.load %arg8[%get3A_808, %get3A_809, %get3A_810] : memref<4x512x256xf32, #tpu.memory_space<vmem>>, vector<4x1x256xf32>
      %get3A_812 = vector.shape_cast %get3A_811 : vector<4x1x256xf32> to vector<4x256xf32>
      %broadcast_in_dim3A_813 = vector.shape_cast %get3A_812 : vector<4x256xf32> to vector<4x1x256xf32>
      %mul3A_814 = vector.broadcast %broadcast_in_dim3A_813 : vector<4x1x256xf32> to vector<4x64x256xf32>
      %mul3A_815 = arith.mulf %reshape3A_807, %mul3A_814 : vector<4x64x256xf32>
      %lt3A_816 = vector.broadcast %add3A_802 : i32 to vector<4x1x256xi32>
      %lt3A_817 = arith.cmpi slt, %lt3A_816, %broadcast_in_dim3A_258 : vector<4x1x256xi32>
      %broadcast_in_dim3A_818 = vector.shape_cast %lt3A_817 : vector<4x1x256xi1> to vector<4x1x256xi1>
      %broadcast_in_dim3A_819 = vector.broadcast %broadcast_in_dim3A_818 : vector<4x1x256xi1> to vector<4x64x256xi1>
      %select_n3A_820 = arith.select %broadcast_in_dim3A_819, %mul3A_815, %select_n3A_730 : vector<4x64x256xi1>, vector<4x64x256xf32>
      %mul3A_821 = arith.constant 8 : i32
      %mul3A_822 = arith.muli %mul3A_821, %scan3A_542 : i32
      %add3A_823 = arith.constant 3 : i32
      %add3A_824 = arith.addi %mul3A_822, %add3A_823 : i32
      %get3A_825 = arith.constant 0 : index
      %get3A_826 = arith.index_cast %add3A_824 : i32 to index
      %get3A_827 = arith.constant 0 : index
      %get3A_828 = vector.load %arg7[%get3A_825, %get3A_826, %get3A_827] : memref<16x512x64xf32, #tpu.memory_space<vmem>>, vector<16x1x64xf32>
      %get3A_829 = vector.shape_cast %get3A_828 : vector<16x1x64xf32> to vector<16x64xf32>
      %convert_element_type3A_830 = arith.truncf %select_n3A_752 : vector<16x64xf32> to vector<16x64xbf16>
      %dot_general3A_831 = arith.constant dense<0.000000e+00> : vector<16x64xf32>
      %dot_general3A_832 = tpu.matmul %convert_element_type3A_830, %convert_element_type3A, %dot_general3A_831 {dimension_numbers = #tpu.dot_dimension_numbers<[1], [0], [0], [1], [0, 0, 1, 1], [], []>, transpose_lhs_hint = false} : vector<16x64xbf16>, vector<64x64xbf16>, vector<16x64xf32> -> vector<16x64xf32>
      %mul3A_833 = arith.mulf %dot_general3A_832, %get3A_829 : vector<16x64xf32>
      %lt3A_834 = vector.broadcast %add3A_824 : i32 to vector<16x1xi32>
      %lt3A_835 = arith.cmpi slt, %lt3A_834, %get3A_9 : vector<16x1xi32>
      %ge3A_836 = arith.constant 1 : i32
      %ge3A_837 = arith.cmpi sge, %add3A_824, %ge3A_836 : i32
      %and3A_838 = vector.broadcast %ge3A_837 : i1 to vector<16x1xi1>
      %and3A_839 = arith.andi %lt3A_835, %and3A_838 : vector<16x1xi1>
      %broadcast_in_dim3A_840 = vector.shape_cast %and3A_839 : vector<16x1xi1> to vector<16x1xi1>
      %broadcast_in_dim3A_841 = vector.broadcast %broadcast_in_dim3A_840 : vector<16x1xi1> to vector<16x64xi1>
      %select_n3A_842 = arith.select %broadcast_in_dim3A_841, %mul3A_833, %select_n3A_752 : vector<16x64xi1>, vector<16x64xf32>
      %mul3A_843 = arith.constant 8 : i32
      %mul3A_844 = arith.muli %mul3A_843, %scan3A_542 : i32
      %sub3A_845 = arith.constant 511 : i32
      %sub3A_846 = arith.subi %sub3A_845, %mul3A_844 : i32
      %sub3A_847 = arith.constant 3 : i32
      %sub3A_848 = arith.subi %sub3A_846, %sub3A_847 : i32
      %get3A_849 = arith.constant 0 : index
      %get3A_850 = arith.index_cast %sub3A_848 : i32 to index
      %get3A_851 = arith.constant 0 : index
      %get3A_852 = vector.load %arg7[%get3A_849, %get3A_850, %get3A_851] : memref<16x512x64xf32, #tpu.memory_space<vmem>>, vector<16x1x64xf32>
      %get3A_853 = vector.shape_cast %get3A_852 : vector<16x1x64xf32> to vector<16x64xf32>
      %mul3A_854 = arith.mulf %select_n3A_772, %get3A_853 : vector<16x64xf32>
      %convert_element_type3A_855 = arith.truncf %mul3A_854 : vector<16x64xf32> to vector<16x64xbf16>
      %dot_general3A_856 = arith.constant dense<0.000000e+00> : vector<16x64xf32>
      %dot_general3A_857 = tpu.matmul %convert_element_type3A_855, %convert_element_type3A_6, %dot_general3A_856 {dimension_numbers = #tpu.dot_dimension_numbers<[1], [0], [0], [1], [0, 0, 1, 1], [], []>, transpose_lhs_hint = false} : vector<16x64xbf16>, vector<64x64xbf16>, vector<16x64xf32> -> vector<16x64xf32>
      %lt3A_858 = vector.broadcast %sub3A_848 : i32 to vector<16x1xi32>
      %lt3A_859 = arith.cmpi slt, %lt3A_858, %get3A_9 : vector<16x1xi32>
      %broadcast_in_dim3A_860 = vector.shape_cast %lt3A_859 : vector<16x1xi1> to vector<16x1xi1>
      %broadcast_in_dim3A_861 = vector.broadcast %broadcast_in_dim3A_860 : vector<16x1xi1> to vector<16x64xi1>
      %select_n3A_862 = arith.select %broadcast_in_dim3A_861, %dot_general3A_857, %select_n3A_772 : vector<16x64xi1>, vector<16x64xf32>
      %mul3A_863 = arith.constant 8 : i32
      %mul3A_864 = arith.muli %mul3A_863, %scan3A_542 : i32
      %add3A_865 = arith.constant 128 : i32
      %add3A_866 = arith.addi %add3A_865, %mul3A_864 : i32
      %add3A_867 = arith.constant 3 : i32
      %add3A_868 = arith.addi %add3A_866, %add3A_867 : i32
      %reshape3A_869 = vector.shape_cast %select_n3A_796 : vector<4x64x256xf32> to vector<256x256xf32>
      %convert_element_type3A_870 = arith.truncf %reshape3A_869 : vector<256x256xf32> to vector<256x256xbf16>
      %dot_general3A_871 = arith.constant dense<0.000000e+00> : vector<256x256xf32>
      %dot_general3A_872 = tpu.matmul %convert_element_type3A_870, %convert_element_type3A_220, %dot_general3A_871 {dimension_numbers = #tpu.dot_dimension_numbers<[1], [0], [0], [1], [0, 0, 1, 1], [], []>, transpose_lhs_hint = false} : vector<256x256xbf16>, vector<256x256xbf16>, vector<256x256xf32> -> vector<256x256xf32>
      %reshape3A_873 = vector.shape_cast %dot_general3A_872 : vector<256x256xf32> to vector<4x64x256xf32>
      %get3A_874 = arith.constant 0 : index
      %get3A_875 = arith.index_cast %add3A_868 : i32 to index
      %get3A_876 = arith.constant 0 : index
      %get3A_877 = vector.load %arg8[%get3A_874, %get3A_875, %get3A_876] : memref<4x512x256xf32, #tpu.memory_space<vmem>>, vector<4x1x256xf32>
      %get3A_878 = vector.shape_cast %get3A_877 : vector<4x1x256xf32> to vector<4x256xf32>
      %broadcast_in_dim3A_879 = vector.shape_cast %get3A_878 : vector<4x256xf32> to vector<4x1x256xf32>
      %mul3A_880 = vector.broadcast %broadcast_in_dim3A_879 : vector<4x1x256xf32> to vector<4x64x256xf32>
      %mul3A_881 = arith.mulf %reshape3A_873, %mul3A_880 : vector<4x64x256xf32>
      %lt3A_882 = vector.broadcast %add3A_868 : i32 to vector<4x1x256xi32>
      %lt3A_883 = arith.cmpi slt, %lt3A_882, %broadcast_in_dim3A_258 : vector<4x1x256xi32>
      %broadcast_in_dim3A_884 = vector.shape_cast %lt3A_883 : vector<4x1x256xi1> to vector<4x1x256xi1>
      %broadcast_in_dim3A_885 = vector.broadcast %broadcast_in_dim3A_884 : vector<4x1x256xi1> to vector<4x64x256xi1>
      %select_n3A_886 = arith.select %broadcast_in_dim3A_885, %mul3A_881, %select_n3A_796 : vector<4x64x256xi1>, vector<4x64x256xf32>
      %mul3A_887 = arith.constant 8 : i32
      %mul3A_888 = arith.muli %mul3A_887, %scan3A_542 : i32
      %add3A_889 = arith.constant 256 : i32
      %add3A_890 = arith.addi %add3A_889, %mul3A_888 : i32
      %add3A_891 = arith.constant 3 : i32
      %add3A_892 = arith.addi %add3A_890, %add3A_891 : i32
      %reshape3A_893 = vector.shape_cast %select_n3A_820 : vector<4x64x256xf32> to vector<256x256xf32>
      %convert_element_type3A_894 = arith.truncf %reshape3A_893 : vector<256x256xf32> to vector<256x256xbf16>
      %dot_general3A_895 = arith.constant dense<0.000000e+00> : vector<256x256xf32>
      %dot_general3A_896 = tpu.matmul %convert_element_type3A_894, %convert_element_type3A_220, %dot_general3A_895 {dimension_numbers = #tpu.dot_dimension_numbers<[1], [0], [0], [1], [0, 0, 1, 1], [], []>, transpose_lhs_hint = false} : vector<256x256xbf16>, vector<256x256xbf16>, vector<256x256xf32> -> vector<256x256xf32>
      %reshape3A_897 = vector.shape_cast %dot_general3A_896 : vector<256x256xf32> to vector<4x64x256xf32>
      %get3A_898 = arith.constant 0 : index
      %get3A_899 = arith.index_cast %add3A_892 : i32 to index
      %get3A_900 = arith.constant 0 : index
      %get3A_901 = vector.load %arg8[%get3A_898, %get3A_899, %get3A_900] : memref<4x512x256xf32, #tpu.memory_space<vmem>>, vector<4x1x256xf32>
      %get3A_902 = vector.shape_cast %get3A_901 : vector<4x1x256xf32> to vector<4x256xf32>
      %broadcast_in_dim3A_903 = vector.shape_cast %get3A_902 : vector<4x256xf32> to vector<4x1x256xf32>
      %mul3A_904 = vector.broadcast %broadcast_in_dim3A_903 : vector<4x1x256xf32> to vector<4x64x256xf32>
      %mul3A_905 = arith.mulf %reshape3A_897, %mul3A_904 : vector<4x64x256xf32>
      %lt3A_906 = vector.broadcast %add3A_892 : i32 to vector<4x1x256xi32>
      %lt3A_907 = arith.cmpi slt, %lt3A_906, %broadcast_in_dim3A_258 : vector<4x1x256xi32>
      %broadcast_in_dim3A_908 = vector.shape_cast %lt3A_907 : vector<4x1x256xi1> to vector<4x1x256xi1>
      %broadcast_in_dim3A_909 = vector.broadcast %broadcast_in_dim3A_908 : vector<4x1x256xi1> to vector<4x64x256xi1>
      %select_n3A_910 = arith.select %broadcast_in_dim3A_909, %mul3A_905, %select_n3A_820 : vector<4x64x256xi1>, vector<4x64x256xf32>
      %reduce_max3A_911 = arith.constant dense<0xFF800000> : vector<16xf32>
      %reduce_max3A_912 = vector.multi_reduction <maximumf>, %select_n3A_862, %reduce_max3A_911 [1] : vector<16x64xf32> to vector<16xf32>
      %broadcast_in_dim3A_913 = vector.shape_cast %reduce_max3A_912 : vector<16xf32> to vector<16x1xf32>
      %div3A = arith.constant 1.000000e+00 : f32
      %div3A_914 = vector.broadcast %div3A : f32 to vector<16x1xf32>
      %div3A_915 = arith.divf %div3A_914, %broadcast_in_dim3A_913 : vector<16x1xf32>
      %mul3A_916 = vector.broadcast %div3A_915 : vector<16x1xf32> to vector<16x64xf32>
      %mul3A_917 = arith.mulf %select_n3A_862, %mul3A_916 : vector<16x64xf32>
      %log3A_918 = math.log %broadcast_in_dim3A_913 : vector<16x1xf32>
      %add3A_919 = arith.addf %scan3A_546, %log3A_918 : vector<16x1xf32>
      %mul3A_920 = arith.constant 8 : i32
      %mul3A_921 = arith.muli %mul3A_920, %scan3A_542 : i32
      %add3A_922 = arith.constant 4 : i32
      %add3A_923 = arith.addi %mul3A_921, %add3A_922 : i32
      %get3A_924 = arith.constant 0 : index
      %get3A_925 = arith.index_cast %add3A_923 : i32 to index
      %get3A_926 = arith.constant 0 : index
      %get3A_927 = vector.load %arg7[%get3A_924, %get3A_925, %get3A_926] : memref<16x512x64xf32, #tpu.memory_space<vmem>>, vector<16x1x64xf32>
      %get3A_928 = vector.shape_cast %get3A_927 : vector<16x1x64xf32> to vector<16x64xf32>
      %convert_element_type3A_929 = arith.truncf %select_n3A_842 : vector<16x64xf32> to vector<16x64xbf16>
      %dot_general3A_930 = arith.constant dense<0.000000e+00> : vector<16x64xf32>
      %dot_general3A_931 = tpu.matmul %convert_element_type3A_929, %convert_element_type3A, %dot_general3A_930 {dimension_numbers = #tpu.dot_dimension_numbers<[1], [0], [0], [1], [0, 0, 1, 1], [], []>, transpose_lhs_hint = false} : vector<16x64xbf16>, vector<64x64xbf16>, vector<16x64xf32> -> vector<16x64xf32>
      %mul3A_932 = arith.mulf %dot_general3A_931, %get3A_928 : vector<16x64xf32>
      %lt3A_933 = vector.broadcast %add3A_923 : i32 to vector<16x1xi32>
      %lt3A_934 = arith.cmpi slt, %lt3A_933, %get3A_9 : vector<16x1xi32>
      %ge3A_935 = arith.constant 1 : i32
      %ge3A_936 = arith.cmpi sge, %add3A_923, %ge3A_935 : i32
      %and3A_937 = vector.broadcast %ge3A_936 : i1 to vector<16x1xi1>
      %and3A_938 = arith.andi %lt3A_934, %and3A_937 : vector<16x1xi1>
      %broadcast_in_dim3A_939 = vector.shape_cast %and3A_938 : vector<16x1xi1> to vector<16x1xi1>
      %broadcast_in_dim3A_940 = vector.broadcast %broadcast_in_dim3A_939 : vector<16x1xi1> to vector<16x64xi1>
      %select_n3A_941 = arith.select %broadcast_in_dim3A_940, %mul3A_932, %select_n3A_842 : vector<16x64xi1>, vector<16x64xf32>
      %mul3A_942 = arith.constant 8 : i32
      %mul3A_943 = arith.muli %mul3A_942, %scan3A_542 : i32
      %sub3A_944 = arith.constant 511 : i32
      %sub3A_945 = arith.subi %sub3A_944, %mul3A_943 : i32
      %sub3A_946 = arith.constant 4 : i32
      %sub3A_947 = arith.subi %sub3A_945, %sub3A_946 : i32
      %get3A_948 = arith.constant 0 : index
      %get3A_949 = arith.index_cast %sub3A_947 : i32 to index
      %get3A_950 = arith.constant 0 : index
      %get3A_951 = vector.load %arg7[%get3A_948, %get3A_949, %get3A_950] : memref<16x512x64xf32, #tpu.memory_space<vmem>>, vector<16x1x64xf32>
      %get3A_952 = vector.shape_cast %get3A_951 : vector<16x1x64xf32> to vector<16x64xf32>
      %mul3A_953 = arith.mulf %mul3A_917, %get3A_952 : vector<16x64xf32>
      %convert_element_type3A_954 = arith.truncf %mul3A_953 : vector<16x64xf32> to vector<16x64xbf16>
      %dot_general3A_955 = arith.constant dense<0.000000e+00> : vector<16x64xf32>
      %dot_general3A_956 = tpu.matmul %convert_element_type3A_954, %convert_element_type3A_6, %dot_general3A_955 {dimension_numbers = #tpu.dot_dimension_numbers<[1], [0], [0], [1], [0, 0, 1, 1], [], []>, transpose_lhs_hint = false} : vector<16x64xbf16>, vector<64x64xbf16>, vector<16x64xf32> -> vector<16x64xf32>
      %lt3A_957 = vector.broadcast %sub3A_947 : i32 to vector<16x1xi32>
      %lt3A_958 = arith.cmpi slt, %lt3A_957, %get3A_9 : vector<16x1xi32>
      %broadcast_in_dim3A_959 = vector.shape_cast %lt3A_958 : vector<16x1xi1> to vector<16x1xi1>
      %broadcast_in_dim3A_960 = vector.broadcast %broadcast_in_dim3A_959 : vector<16x1xi1> to vector<16x64xi1>
      %select_n3A_961 = arith.select %broadcast_in_dim3A_960, %dot_general3A_956, %mul3A_917 : vector<16x64xi1>, vector<16x64xf32>
      %mul3A_962 = arith.constant 8 : i32
      %mul3A_963 = arith.muli %mul3A_962, %scan3A_542 : i32
      %add3A_964 = arith.constant 128 : i32
      %add3A_965 = arith.addi %add3A_964, %mul3A_963 : i32
      %add3A_966 = arith.constant 4 : i32
      %add3A_967 = arith.addi %add3A_965, %add3A_966 : i32
      %reshape3A_968 = vector.shape_cast %select_n3A_886 : vector<4x64x256xf32> to vector<256x256xf32>
      %convert_element_type3A_969 = arith.truncf %reshape3A_968 : vector<256x256xf32> to vector<256x256xbf16>
      %dot_general3A_970 = arith.constant dense<0.000000e+00> : vector<256x256xf32>
      %dot_general3A_971 = tpu.matmul %convert_element_type3A_969, %convert_element_type3A_220, %dot_general3A_970 {dimension_numbers = #tpu.dot_dimension_numbers<[1], [0], [0], [1], [0, 0, 1, 1], [], []>, transpose_lhs_hint = false} : vector<256x256xbf16>, vector<256x256xbf16>, vector<256x256xf32> -> vector<256x256xf32>
      %reshape3A_972 = vector.shape_cast %dot_general3A_971 : vector<256x256xf32> to vector<4x64x256xf32>
      %get3A_973 = arith.constant 0 : index
      %get3A_974 = arith.index_cast %add3A_967 : i32 to index
      %get3A_975 = arith.constant 0 : index
      %get3A_976 = vector.load %arg8[%get3A_973, %get3A_974, %get3A_975] : memref<4x512x256xf32, #tpu.memory_space<vmem>>, vector<4x1x256xf32>
      %get3A_977 = vector.shape_cast %get3A_976 : vector<4x1x256xf32> to vector<4x256xf32>
      %broadcast_in_dim3A_978 = vector.shape_cast %get3A_977 : vector<4x256xf32> to vector<4x1x256xf32>
      %mul3A_979 = vector.broadcast %broadcast_in_dim3A_978 : vector<4x1x256xf32> to vector<4x64x256xf32>
      %mul3A_980 = arith.mulf %reshape3A_972, %mul3A_979 : vector<4x64x256xf32>
      %lt3A_981 = vector.broadcast %add3A_967 : i32 to vector<4x1x256xi32>
      %lt3A_982 = arith.cmpi slt, %lt3A_981, %broadcast_in_dim3A_258 : vector<4x1x256xi32>
      %broadcast_in_dim3A_983 = vector.shape_cast %lt3A_982 : vector<4x1x256xi1> to vector<4x1x256xi1>
      %broadcast_in_dim3A_984 = vector.broadcast %broadcast_in_dim3A_983 : vector<4x1x256xi1> to vector<4x64x256xi1>
      %select_n3A_985 = arith.select %broadcast_in_dim3A_984, %mul3A_980, %select_n3A_886 : vector<4x64x256xi1>, vector<4x64x256xf32>
      %mul3A_986 = arith.constant 8 : i32
      %mul3A_987 = arith.muli %mul3A_986, %scan3A_542 : i32
      %add3A_988 = arith.constant 256 : i32
      %add3A_989 = arith.addi %add3A_988, %mul3A_987 : i32
      %add3A_990 = arith.constant 4 : i32
      %add3A_991 = arith.addi %add3A_989, %add3A_990 : i32
      %reshape3A_992 = vector.shape_cast %select_n3A_910 : vector<4x64x256xf32> to vector<256x256xf32>
      %convert_element_type3A_993 = arith.truncf %reshape3A_992 : vector<256x256xf32> to vector<256x256xbf16>
      %dot_general3A_994 = arith.constant dense<0.000000e+00> : vector<256x256xf32>
      %dot_general3A_995 = tpu.matmul %convert_element_type3A_993, %convert_element_type3A_220, %dot_general3A_994 {dimension_numbers = #tpu.dot_dimension_numbers<[1], [0], [0], [1], [0, 0, 1, 1], [], []>, transpose_lhs_hint = false} : vector<256x256xbf16>, vector<256x256xbf16>, vector<256x256xf32> -> vector<256x256xf32>
      %reshape3A_996 = vector.shape_cast %dot_general3A_995 : vector<256x256xf32> to vector<4x64x256xf32>
      %get3A_997 = arith.constant 0 : index
      %get3A_998 = arith.index_cast %add3A_991 : i32 to index
      %get3A_999 = arith.constant 0 : index
      %get3A_1000 = vector.load %arg8[%get3A_997, %get3A_998, %get3A_999] : memref<4x512x256xf32, #tpu.memory_space<vmem>>, vector<4x1x256xf32>
      %get3A_1001 = vector.shape_cast %get3A_1000 : vector<4x1x256xf32> to vector<4x256xf32>
      %broadcast_in_dim3A_1002 = vector.shape_cast %get3A_1001 : vector<4x256xf32> to vector<4x1x256xf32>
      %mul3A_1003 = vector.broadcast %broadcast_in_dim3A_1002 : vector<4x1x256xf32> to vector<4x64x256xf32>
      %mul3A_1004 = arith.mulf %reshape3A_996, %mul3A_1003 : vector<4x64x256xf32>
      %lt3A_1005 = vector.broadcast %add3A_991 : i32 to vector<4x1x256xi32>
      %lt3A_1006 = arith.cmpi slt, %lt3A_1005, %broadcast_in_dim3A_258 : vector<4x1x256xi32>
      %broadcast_in_dim3A_1007 = vector.shape_cast %lt3A_1006 : vector<4x1x256xi1> to vector<4x1x256xi1>
      %broadcast_in_dim3A_1008 = vector.broadcast %broadcast_in_dim3A_1007 : vector<4x1x256xi1> to vector<4x64x256xi1>
      %select_n3A_1009 = arith.select %broadcast_in_dim3A_1008, %mul3A_1004, %select_n3A_910 : vector<4x64x256xi1>, vector<4x64x256xf32>
      %mul3A_1010 = arith.constant 8 : i32
      %mul3A_1011 = arith.muli %mul3A_1010, %scan3A_542 : i32
      %add3A_1012 = arith.constant 5 : i32
      %add3A_1013 = arith.addi %mul3A_1011, %add3A_1012 : i32
      %get3A_1014 = arith.constant 0 : index
      %get3A_1015 = arith.index_cast %add3A_1013 : i32 to index
      %get3A_1016 = arith.constant 0 : index
      %get3A_1017 = vector.load %arg7[%get3A_1014, %get3A_1015, %get3A_1016] : memref<16x512x64xf32, #tpu.memory_space<vmem>>, vector<16x1x64xf32>
      %get3A_1018 = vector.shape_cast %get3A_1017 : vector<16x1x64xf32> to vector<16x64xf32>
      %convert_element_type3A_1019 = arith.truncf %select_n3A_941 : vector<16x64xf32> to vector<16x64xbf16>
      %dot_general3A_1020 = arith.constant dense<0.000000e+00> : vector<16x64xf32>
      %dot_general3A_1021 = tpu.matmul %convert_element_type3A_1019, %convert_element_type3A, %dot_general3A_1020 {dimension_numbers = #tpu.dot_dimension_numbers<[1], [0], [0], [1], [0, 0, 1, 1], [], []>, transpose_lhs_hint = false} : vector<16x64xbf16>, vector<64x64xbf16>, vector<16x64xf32> -> vector<16x64xf32>
      %mul3A_1022 = arith.mulf %dot_general3A_1021, %get3A_1018 : vector<16x64xf32>
      %lt3A_1023 = vector.broadcast %add3A_1013 : i32 to vector<16x1xi32>
      %lt3A_1024 = arith.cmpi slt, %lt3A_1023, %get3A_9 : vector<16x1xi32>
      %ge3A_1025 = arith.constant 1 : i32
      %ge3A_1026 = arith.cmpi sge, %add3A_1013, %ge3A_1025 : i32
      %and3A_1027 = vector.broadcast %ge3A_1026 : i1 to vector<16x1xi1>
      %and3A_1028 = arith.andi %lt3A_1024, %and3A_1027 : vector<16x1xi1>
      %broadcast_in_dim3A_1029 = vector.shape_cast %and3A_1028 : vector<16x1xi1> to vector<16x1xi1>
      %broadcast_in_dim3A_1030 = vector.broadcast %broadcast_in_dim3A_1029 : vector<16x1xi1> to vector<16x64xi1>
      %select_n3A_1031 = arith.select %broadcast_in_dim3A_1030, %mul3A_1022, %select_n3A_941 : vector<16x64xi1>, vector<16x64xf32>
      %mul3A_1032 = arith.constant 8 : i32
      %mul3A_1033 = arith.muli %mul3A_1032, %scan3A_542 : i32
      %sub3A_1034 = arith.constant 511 : i32
      %sub3A_1035 = arith.subi %sub3A_1034, %mul3A_1033 : i32
      %sub3A_1036 = arith.constant 5 : i32
      %sub3A_1037 = arith.subi %sub3A_1035, %sub3A_1036 : i32
      %get3A_1038 = arith.constant 0 : index
      %get3A_1039 = arith.index_cast %sub3A_1037 : i32 to index
      %get3A_1040 = arith.constant 0 : index
      %get3A_1041 = vector.load %arg7[%get3A_1038, %get3A_1039, %get3A_1040] : memref<16x512x64xf32, #tpu.memory_space<vmem>>, vector<16x1x64xf32>
      %get3A_1042 = vector.shape_cast %get3A_1041 : vector<16x1x64xf32> to vector<16x64xf32>
      %mul3A_1043 = arith.mulf %select_n3A_961, %get3A_1042 : vector<16x64xf32>
      %convert_element_type3A_1044 = arith.truncf %mul3A_1043 : vector<16x64xf32> to vector<16x64xbf16>
      %dot_general3A_1045 = arith.constant dense<0.000000e+00> : vector<16x64xf32>
      %dot_general3A_1046 = tpu.matmul %convert_element_type3A_1044, %convert_element_type3A_6, %dot_general3A_1045 {dimension_numbers = #tpu.dot_dimension_numbers<[1], [0], [0], [1], [0, 0, 1, 1], [], []>, transpose_lhs_hint = false} : vector<16x64xbf16>, vector<64x64xbf16>, vector<16x64xf32> -> vector<16x64xf32>
      %lt3A_1047 = vector.broadcast %sub3A_1037 : i32 to vector<16x1xi32>
      %lt3A_1048 = arith.cmpi slt, %lt3A_1047, %get3A_9 : vector<16x1xi32>
      %broadcast_in_dim3A_1049 = vector.shape_cast %lt3A_1048 : vector<16x1xi1> to vector<16x1xi1>
      %broadcast_in_dim3A_1050 = vector.broadcast %broadcast_in_dim3A_1049 : vector<16x1xi1> to vector<16x64xi1>
      %select_n3A_1051 = arith.select %broadcast_in_dim3A_1050, %dot_general3A_1046, %select_n3A_961 : vector<16x64xi1>, vector<16x64xf32>
      %mul3A_1052 = arith.constant 8 : i32
      %mul3A_1053 = arith.muli %mul3A_1052, %scan3A_542 : i32
      %add3A_1054 = arith.constant 128 : i32
      %add3A_1055 = arith.addi %add3A_1054, %mul3A_1053 : i32
      %add3A_1056 = arith.constant 5 : i32
      %add3A_1057 = arith.addi %add3A_1055, %add3A_1056 : i32
      %reshape3A_1058 = vector.shape_cast %select_n3A_985 : vector<4x64x256xf32> to vector<256x256xf32>
      %convert_element_type3A_1059 = arith.truncf %reshape3A_1058 : vector<256x256xf32> to vector<256x256xbf16>
      %dot_general3A_1060 = arith.constant dense<0.000000e+00> : vector<256x256xf32>
      %dot_general3A_1061 = tpu.matmul %convert_element_type3A_1059, %convert_element_type3A_220, %dot_general3A_1060 {dimension_numbers = #tpu.dot_dimension_numbers<[1], [0], [0], [1], [0, 0, 1, 1], [], []>, transpose_lhs_hint = false} : vector<256x256xbf16>, vector<256x256xbf16>, vector<256x256xf32> -> vector<256x256xf32>
      %reshape3A_1062 = vector.shape_cast %dot_general3A_1061 : vector<256x256xf32> to vector<4x64x256xf32>
      %get3A_1063 = arith.constant 0 : index
      %get3A_1064 = arith.index_cast %add3A_1057 : i32 to index
      %get3A_1065 = arith.constant 0 : index
      %get3A_1066 = vector.load %arg8[%get3A_1063, %get3A_1064, %get3A_1065] : memref<4x512x256xf32, #tpu.memory_space<vmem>>, vector<4x1x256xf32>
      %get3A_1067 = vector.shape_cast %get3A_1066 : vector<4x1x256xf32> to vector<4x256xf32>
      %broadcast_in_dim3A_1068 = vector.shape_cast %get3A_1067 : vector<4x256xf32> to vector<4x1x256xf32>
      %mul3A_1069 = vector.broadcast %broadcast_in_dim3A_1068 : vector<4x1x256xf32> to vector<4x64x256xf32>
      %mul3A_1070 = arith.mulf %reshape3A_1062, %mul3A_1069 : vector<4x64x256xf32>
      %lt3A_1071 = vector.broadcast %add3A_1057 : i32 to vector<4x1x256xi32>
      %lt3A_1072 = arith.cmpi slt, %lt3A_1071, %broadcast_in_dim3A_258 : vector<4x1x256xi32>
      %broadcast_in_dim3A_1073 = vector.shape_cast %lt3A_1072 : vector<4x1x256xi1> to vector<4x1x256xi1>
      %broadcast_in_dim3A_1074 = vector.broadcast %broadcast_in_dim3A_1073 : vector<4x1x256xi1> to vector<4x64x256xi1>
      %select_n3A_1075 = arith.select %broadcast_in_dim3A_1074, %mul3A_1070, %select_n3A_985 : vector<4x64x256xi1>, vector<4x64x256xf32>
      %mul3A_1076 = arith.constant 8 : i32
      %mul3A_1077 = arith.muli %mul3A_1076, %scan3A_542 : i32
      %add3A_1078 = arith.constant 256 : i32
      %add3A_1079 = arith.addi %add3A_1078, %mul3A_1077 : i32
      %add3A_1080 = arith.constant 5 : i32
      %add3A_1081 = arith.addi %add3A_1079, %add3A_1080 : i32
      %reshape3A_1082 = vector.shape_cast %select_n3A_1009 : vector<4x64x256xf32> to vector<256x256xf32>
      %convert_element_type3A_1083 = arith.truncf %reshape3A_1082 : vector<256x256xf32> to vector<256x256xbf16>
      %dot_general3A_1084 = arith.constant dense<0.000000e+00> : vector<256x256xf32>
      %dot_general3A_1085 = tpu.matmul %convert_element_type3A_1083, %convert_element_type3A_220, %dot_general3A_1084 {dimension_numbers = #tpu.dot_dimension_numbers<[1], [0], [0], [1], [0, 0, 1, 1], [], []>, transpose_lhs_hint = false} : vector<256x256xbf16>, vector<256x256xbf16>, vector<256x256xf32> -> vector<256x256xf32>
      %reshape3A_1086 = vector.shape_cast %dot_general3A_1085 : vector<256x256xf32> to vector<4x64x256xf32>
      %get3A_1087 = arith.constant 0 : index
      %get3A_1088 = arith.index_cast %add3A_1081 : i32 to index
      %get3A_1089 = arith.constant 0 : index
      %get3A_1090 = vector.load %arg8[%get3A_1087, %get3A_1088, %get3A_1089] : memref<4x512x256xf32, #tpu.memory_space<vmem>>, vector<4x1x256xf32>
      %get3A_1091 = vector.shape_cast %get3A_1090 : vector<4x1x256xf32> to vector<4x256xf32>
      %broadcast_in_dim3A_1092 = vector.shape_cast %get3A_1091 : vector<4x256xf32> to vector<4x1x256xf32>
      %mul3A_1093 = vector.broadcast %broadcast_in_dim3A_1092 : vector<4x1x256xf32> to vector<4x64x256xf32>
      %mul3A_1094 = arith.mulf %reshape3A_1086, %mul3A_1093 : vector<4x64x256xf32>
      %lt3A_1095 = vector.broadcast %add3A_1081 : i32 to vector<4x1x256xi32>
      %lt3A_1096 = arith.cmpi slt, %lt3A_1095, %broadcast_in_dim3A_258 : vector<4x1x256xi32>
      %broadcast_in_dim3A_1097 = vector.shape_cast %lt3A_1096 : vector<4x1x256xi1> to vector<4x1x256xi1>
      %broadcast_in_dim3A_1098 = vector.broadcast %broadcast_in_dim3A_1097 : vector<4x1x256xi1> to vector<4x64x256xi1>
      %select_n3A_1099 = arith.select %broadcast_in_dim3A_1098, %mul3A_1094, %select_n3A_1009 : vector<4x64x256xi1>, vector<4x64x256xf32>
      %mul3A_1100 = arith.constant 8 : i32
      %mul3A_1101 = arith.muli %mul3A_1100, %scan3A_542 : i32
      %add3A_1102 = arith.constant 6 : i32
      %add3A_1103 = arith.addi %mul3A_1101, %add3A_1102 : i32
      %get3A_1104 = arith.constant 0 : index
      %get3A_1105 = arith.index_cast %add3A_1103 : i32 to index
      %get3A_1106 = arith.constant 0 : index
      %get3A_1107 = vector.load %arg7[%get3A_1104, %get3A_1105, %get3A_1106] : memref<16x512x64xf32, #tpu.memory_space<vmem>>, vector<16x1x64xf32>
      %get3A_1108 = vector.shape_cast %get3A_1107 : vector<16x1x64xf32> to vector<16x64xf32>
      %convert_element_type3A_1109 = arith.truncf %select_n3A_1031 : vector<16x64xf32> to vector<16x64xbf16>
      %dot_general3A_1110 = arith.constant dense<0.000000e+00> : vector<16x64xf32>
      %dot_general3A_1111 = tpu.matmul %convert_element_type3A_1109, %convert_element_type3A, %dot_general3A_1110 {dimension_numbers = #tpu.dot_dimension_numbers<[1], [0], [0], [1], [0, 0, 1, 1], [], []>, transpose_lhs_hint = false} : vector<16x64xbf16>, vector<64x64xbf16>, vector<16x64xf32> -> vector<16x64xf32>
      %mul3A_1112 = arith.mulf %dot_general3A_1111, %get3A_1108 : vector<16x64xf32>
      %lt3A_1113 = vector.broadcast %add3A_1103 : i32 to vector<16x1xi32>
      %lt3A_1114 = arith.cmpi slt, %lt3A_1113, %get3A_9 : vector<16x1xi32>
      %ge3A_1115 = arith.constant 1 : i32
      %ge3A_1116 = arith.cmpi sge, %add3A_1103, %ge3A_1115 : i32
      %and3A_1117 = vector.broadcast %ge3A_1116 : i1 to vector<16x1xi1>
      %and3A_1118 = arith.andi %lt3A_1114, %and3A_1117 : vector<16x1xi1>
      %broadcast_in_dim3A_1119 = vector.shape_cast %and3A_1118 : vector<16x1xi1> to vector<16x1xi1>
      %broadcast_in_dim3A_1120 = vector.broadcast %broadcast_in_dim3A_1119 : vector<16x1xi1> to vector<16x64xi1>
      %select_n3A_1121 = arith.select %broadcast_in_dim3A_1120, %mul3A_1112, %select_n3A_1031 : vector<16x64xi1>, vector<16x64xf32>
      %mul3A_1122 = arith.constant 8 : i32
      %mul3A_1123 = arith.muli %mul3A_1122, %scan3A_542 : i32
      %sub3A_1124 = arith.constant 511 : i32
      %sub3A_1125 = arith.subi %sub3A_1124, %mul3A_1123 : i32
      %sub3A_1126 = arith.constant 6 : i32
      %sub3A_1127 = arith.subi %sub3A_1125, %sub3A_1126 : i32
      %get3A_1128 = arith.constant 0 : index
      %get3A_1129 = arith.index_cast %sub3A_1127 : i32 to index
      %get3A_1130 = arith.constant 0 : index
      %get3A_1131 = vector.load %arg7[%get3A_1128, %get3A_1129, %get3A_1130] : memref<16x512x64xf32, #tpu.memory_space<vmem>>, vector<16x1x64xf32>
      %get3A_1132 = vector.shape_cast %get3A_1131 : vector<16x1x64xf32> to vector<16x64xf32>
      %mul3A_1133 = arith.mulf %select_n3A_1051, %get3A_1132 : vector<16x64xf32>
      %convert_element_type3A_1134 = arith.truncf %mul3A_1133 : vector<16x64xf32> to vector<16x64xbf16>
      %dot_general3A_1135 = arith.constant dense<0.000000e+00> : vector<16x64xf32>
      %dot_general3A_1136 = tpu.matmul %convert_element_type3A_1134, %convert_element_type3A_6, %dot_general3A_1135 {dimension_numbers = #tpu.dot_dimension_numbers<[1], [0], [0], [1], [0, 0, 1, 1], [], []>, transpose_lhs_hint = false} : vector<16x64xbf16>, vector<64x64xbf16>, vector<16x64xf32> -> vector<16x64xf32>
      %lt3A_1137 = vector.broadcast %sub3A_1127 : i32 to vector<16x1xi32>
      %lt3A_1138 = arith.cmpi slt, %lt3A_1137, %get3A_9 : vector<16x1xi32>
      %broadcast_in_dim3A_1139 = vector.shape_cast %lt3A_1138 : vector<16x1xi1> to vector<16x1xi1>
      %broadcast_in_dim3A_1140 = vector.broadcast %broadcast_in_dim3A_1139 : vector<16x1xi1> to vector<16x64xi1>
      %select_n3A_1141 = arith.select %broadcast_in_dim3A_1140, %dot_general3A_1136, %select_n3A_1051 : vector<16x64xi1>, vector<16x64xf32>
      %mul3A_1142 = arith.constant 8 : i32
      %mul3A_1143 = arith.muli %mul3A_1142, %scan3A_542 : i32
      %add3A_1144 = arith.constant 128 : i32
      %add3A_1145 = arith.addi %add3A_1144, %mul3A_1143 : i32
      %add3A_1146 = arith.constant 6 : i32
      %add3A_1147 = arith.addi %add3A_1145, %add3A_1146 : i32
      %reshape3A_1148 = vector.shape_cast %select_n3A_1075 : vector<4x64x256xf32> to vector<256x256xf32>
      %convert_element_type3A_1149 = arith.truncf %reshape3A_1148 : vector<256x256xf32> to vector<256x256xbf16>
      %dot_general3A_1150 = arith.constant dense<0.000000e+00> : vector<256x256xf32>
      %dot_general3A_1151 = tpu.matmul %convert_element_type3A_1149, %convert_element_type3A_220, %dot_general3A_1150 {dimension_numbers = #tpu.dot_dimension_numbers<[1], [0], [0], [1], [0, 0, 1, 1], [], []>, transpose_lhs_hint = false} : vector<256x256xbf16>, vector<256x256xbf16>, vector<256x256xf32> -> vector<256x256xf32>
      %reshape3A_1152 = vector.shape_cast %dot_general3A_1151 : vector<256x256xf32> to vector<4x64x256xf32>
      %get3A_1153 = arith.constant 0 : index
      %get3A_1154 = arith.index_cast %add3A_1147 : i32 to index
      %get3A_1155 = arith.constant 0 : index
      %get3A_1156 = vector.load %arg8[%get3A_1153, %get3A_1154, %get3A_1155] : memref<4x512x256xf32, #tpu.memory_space<vmem>>, vector<4x1x256xf32>
      %get3A_1157 = vector.shape_cast %get3A_1156 : vector<4x1x256xf32> to vector<4x256xf32>
      %broadcast_in_dim3A_1158 = vector.shape_cast %get3A_1157 : vector<4x256xf32> to vector<4x1x256xf32>
      %mul3A_1159 = vector.broadcast %broadcast_in_dim3A_1158 : vector<4x1x256xf32> to vector<4x64x256xf32>
      %mul3A_1160 = arith.mulf %reshape3A_1152, %mul3A_1159 : vector<4x64x256xf32>
      %lt3A_1161 = vector.broadcast %add3A_1147 : i32 to vector<4x1x256xi32>
      %lt3A_1162 = arith.cmpi slt, %lt3A_1161, %broadcast_in_dim3A_258 : vector<4x1x256xi32>
      %broadcast_in_dim3A_1163 = vector.shape_cast %lt3A_1162 : vector<4x1x256xi1> to vector<4x1x256xi1>
      %broadcast_in_dim3A_1164 = vector.broadcast %broadcast_in_dim3A_1163 : vector<4x1x256xi1> to vector<4x64x256xi1>
      %select_n3A_1165 = arith.select %broadcast_in_dim3A_1164, %mul3A_1160, %select_n3A_1075 : vector<4x64x256xi1>, vector<4x64x256xf32>
      %mul3A_1166 = arith.constant 8 : i32
      %mul3A_1167 = arith.muli %mul3A_1166, %scan3A_542 : i32
      %add3A_1168 = arith.constant 256 : i32
      %add3A_1169 = arith.addi %add3A_1168, %mul3A_1167 : i32
      %add3A_1170 = arith.constant 6 : i32
      %add3A_1171 = arith.addi %add3A_1169, %add3A_1170 : i32
      %reshape3A_1172 = vector.shape_cast %select_n3A_1099 : vector<4x64x256xf32> to vector<256x256xf32>
      %convert_element_type3A_1173 = arith.truncf %reshape3A_1172 : vector<256x256xf32> to vector<256x256xbf16>
      %dot_general3A_1174 = arith.constant dense<0.000000e+00> : vector<256x256xf32>
      %dot_general3A_1175 = tpu.matmul %convert_element_type3A_1173, %convert_element_type3A_220, %dot_general3A_1174 {dimension_numbers = #tpu.dot_dimension_numbers<[1], [0], [0], [1], [0, 0, 1, 1], [], []>, transpose_lhs_hint = false} : vector<256x256xbf16>, vector<256x256xbf16>, vector<256x256xf32> -> vector<256x256xf32>
      %reshape3A_1176 = vector.shape_cast %dot_general3A_1175 : vector<256x256xf32> to vector<4x64x256xf32>
      %get3A_1177 = arith.constant 0 : index
      %get3A_1178 = arith.index_cast %add3A_1171 : i32 to index
      %get3A_1179 = arith.constant 0 : index
      %get3A_1180 = vector.load %arg8[%get3A_1177, %get3A_1178, %get3A_1179] : memref<4x512x256xf32, #tpu.memory_space<vmem>>, vector<4x1x256xf32>
      %get3A_1181 = vector.shape_cast %get3A_1180 : vector<4x1x256xf32> to vector<4x256xf32>
      %broadcast_in_dim3A_1182 = vector.shape_cast %get3A_1181 : vector<4x256xf32> to vector<4x1x256xf32>
      %mul3A_1183 = vector.broadcast %broadcast_in_dim3A_1182 : vector<4x1x256xf32> to vector<4x64x256xf32>
      %mul3A_1184 = arith.mulf %reshape3A_1176, %mul3A_1183 : vector<4x64x256xf32>
      %lt3A_1185 = vector.broadcast %add3A_1171 : i32 to vector<4x1x256xi32>
      %lt3A_1186 = arith.cmpi slt, %lt3A_1185, %broadcast_in_dim3A_258 : vector<4x1x256xi32>
      %broadcast_in_dim3A_1187 = vector.shape_cast %lt3A_1186 : vector<4x1x256xi1> to vector<4x1x256xi1>
      %broadcast_in_dim3A_1188 = vector.broadcast %broadcast_in_dim3A_1187 : vector<4x1x256xi1> to vector<4x64x256xi1>
      %select_n3A_1189 = arith.select %broadcast_in_dim3A_1188, %mul3A_1184, %select_n3A_1099 : vector<4x64x256xi1>, vector<4x64x256xf32>
      %mul3A_1190 = arith.constant 8 : i32
      %mul3A_1191 = arith.muli %mul3A_1190, %scan3A_542 : i32
      %add3A_1192 = arith.constant 7 : i32
      %add3A_1193 = arith.addi %mul3A_1191, %add3A_1192 : i32
      %get3A_1194 = arith.constant 0 : index
      %get3A_1195 = arith.index_cast %add3A_1193 : i32 to index
      %get3A_1196 = arith.constant 0 : index
      %get3A_1197 = vector.load %arg7[%get3A_1194, %get3A_1195, %get3A_1196] : memref<16x512x64xf32, #tpu.memory_space<vmem>>, vector<16x1x64xf32>
      %get3A_1198 = vector.shape_cast %get3A_1197 : vector<16x1x64xf32> to vector<16x64xf32>
      %convert_element_type3A_1199 = arith.truncf %select_n3A_1121 : vector<16x64xf32> to vector<16x64xbf16>
      %dot_general3A_1200 = arith.constant dense<0.000000e+00> : vector<16x64xf32>
      %dot_general3A_1201 = tpu.matmul %convert_element_type3A_1199, %convert_element_type3A, %dot_general3A_1200 {dimension_numbers = #tpu.dot_dimension_numbers<[1], [0], [0], [1], [0, 0, 1, 1], [], []>, transpose_lhs_hint = false} : vector<16x64xbf16>, vector<64x64xbf16>, vector<16x64xf32> -> vector<16x64xf32>
      %mul3A_1202 = arith.mulf %dot_general3A_1201, %get3A_1198 : vector<16x64xf32>
      %lt3A_1203 = vector.broadcast %add3A_1193 : i32 to vector<16x1xi32>
      %lt3A_1204 = arith.cmpi slt, %lt3A_1203, %get3A_9 : vector<16x1xi32>
      %ge3A_1205 = arith.constant 1 : i32
      %ge3A_1206 = arith.cmpi sge, %add3A_1193, %ge3A_1205 : i32
      %and3A_1207 = vector.broadcast %ge3A_1206 : i1 to vector<16x1xi1>
      %and3A_1208 = arith.andi %lt3A_1204, %and3A_1207 : vector<16x1xi1>
      %broadcast_in_dim3A_1209 = vector.shape_cast %and3A_1208 : vector<16x1xi1> to vector<16x1xi1>
      %broadcast_in_dim3A_1210 = vector.broadcast %broadcast_in_dim3A_1209 : vector<16x1xi1> to vector<16x64xi1>
      %select_n3A_1211 = arith.select %broadcast_in_dim3A_1210, %mul3A_1202, %select_n3A_1121 : vector<16x64xi1>, vector<16x64xf32>
      %mul3A_1212 = arith.constant 8 : i32
      %mul3A_1213 = arith.muli %mul3A_1212, %scan3A_542 : i32
      %sub3A_1214 = arith.constant 511 : i32
      %sub3A_1215 = arith.subi %sub3A_1214, %mul3A_1213 : i32
      %sub3A_1216 = arith.constant 7 : i32
      %sub3A_1217 = arith.subi %sub3A_1215, %sub3A_1216 : i32
      %get3A_1218 = arith.constant 0 : index
      %get3A_1219 = arith.index_cast %sub3A_1217 : i32 to index
      %get3A_1220 = arith.constant 0 : index
      %get3A_1221 = vector.load %arg7[%get3A_1218, %get3A_1219, %get3A_1220] : memref<16x512x64xf32, #tpu.memory_space<vmem>>, vector<16x1x64xf32>
      %get3A_1222 = vector.shape_cast %get3A_1221 : vector<16x1x64xf32> to vector<16x64xf32>
      %mul3A_1223 = arith.mulf %select_n3A_1141, %get3A_1222 : vector<16x64xf32>
      %convert_element_type3A_1224 = arith.truncf %mul3A_1223 : vector<16x64xf32> to vector<16x64xbf16>
      %dot_general3A_1225 = arith.constant dense<0.000000e+00> : vector<16x64xf32>
      %dot_general3A_1226 = tpu.matmul %convert_element_type3A_1224, %convert_element_type3A_6, %dot_general3A_1225 {dimension_numbers = #tpu.dot_dimension_numbers<[1], [0], [0], [1], [0, 0, 1, 1], [], []>, transpose_lhs_hint = false} : vector<16x64xbf16>, vector<64x64xbf16>, vector<16x64xf32> -> vector<16x64xf32>
      %lt3A_1227 = vector.broadcast %sub3A_1217 : i32 to vector<16x1xi32>
      %lt3A_1228 = arith.cmpi slt, %lt3A_1227, %get3A_9 : vector<16x1xi32>
      %broadcast_in_dim3A_1229 = vector.shape_cast %lt3A_1228 : vector<16x1xi1> to vector<16x1xi1>
      %broadcast_in_dim3A_1230 = vector.broadcast %broadcast_in_dim3A_1229 : vector<16x1xi1> to vector<16x64xi1>
      %select_n3A_1231 = arith.select %broadcast_in_dim3A_1230, %dot_general3A_1226, %select_n3A_1141 : vector<16x64xi1>, vector<16x64xf32>
      %mul3A_1232 = arith.constant 8 : i32
      %mul3A_1233 = arith.muli %mul3A_1232, %scan3A_542 : i32
      %add3A_1234 = arith.constant 128 : i32
      %add3A_1235 = arith.addi %add3A_1234, %mul3A_1233 : i32
      %add3A_1236 = arith.constant 7 : i32
      %add3A_1237 = arith.addi %add3A_1235, %add3A_1236 : i32
      %reshape3A_1238 = vector.shape_cast %select_n3A_1165 : vector<4x64x256xf32> to vector<256x256xf32>
      %convert_element_type3A_1239 = arith.truncf %reshape3A_1238 : vector<256x256xf32> to vector<256x256xbf16>
      %dot_general3A_1240 = arith.constant dense<0.000000e+00> : vector<256x256xf32>
      %dot_general3A_1241 = tpu.matmul %convert_element_type3A_1239, %convert_element_type3A_220, %dot_general3A_1240 {dimension_numbers = #tpu.dot_dimension_numbers<[1], [0], [0], [1], [0, 0, 1, 1], [], []>, transpose_lhs_hint = false} : vector<256x256xbf16>, vector<256x256xbf16>, vector<256x256xf32> -> vector<256x256xf32>
      %reshape3A_1242 = vector.shape_cast %dot_general3A_1241 : vector<256x256xf32> to vector<4x64x256xf32>
      %get3A_1243 = arith.constant 0 : index
      %get3A_1244 = arith.index_cast %add3A_1237 : i32 to index
      %get3A_1245 = arith.constant 0 : index
      %get3A_1246 = vector.load %arg8[%get3A_1243, %get3A_1244, %get3A_1245] : memref<4x512x256xf32, #tpu.memory_space<vmem>>, vector<4x1x256xf32>
      %get3A_1247 = vector.shape_cast %get3A_1246 : vector<4x1x256xf32> to vector<4x256xf32>
      %broadcast_in_dim3A_1248 = vector.shape_cast %get3A_1247 : vector<4x256xf32> to vector<4x1x256xf32>
      %mul3A_1249 = vector.broadcast %broadcast_in_dim3A_1248 : vector<4x1x256xf32> to vector<4x64x256xf32>
      %mul3A_1250 = arith.mulf %reshape3A_1242, %mul3A_1249 : vector<4x64x256xf32>
      %lt3A_1251 = vector.broadcast %add3A_1237 : i32 to vector<4x1x256xi32>
      %lt3A_1252 = arith.cmpi slt, %lt3A_1251, %broadcast_in_dim3A_258 : vector<4x1x256xi32>
      %broadcast_in_dim3A_1253 = vector.shape_cast %lt3A_1252 : vector<4x1x256xi1> to vector<4x1x256xi1>
      %broadcast_in_dim3A_1254 = vector.broadcast %broadcast_in_dim3A_1253 : vector<4x1x256xi1> to vector<4x64x256xi1>
      %select_n3A_1255 = arith.select %broadcast_in_dim3A_1254, %mul3A_1250, %select_n3A_1165 : vector<4x64x256xi1>, vector<4x64x256xf32>
      %mul3A_1256 = arith.constant 8 : i32
      %mul3A_1257 = arith.muli %mul3A_1256, %scan3A_542 : i32
      %add3A_1258 = arith.constant 256 : i32
      %add3A_1259 = arith.addi %add3A_1258, %mul3A_1257 : i32
      %add3A_1260 = arith.constant 7 : i32
      %add3A_1261 = arith.addi %add3A_1259, %add3A_1260 : i32
      %reshape3A_1262 = vector.shape_cast %select_n3A_1189 : vector<4x64x256xf32> to vector<256x256xf32>
      %convert_element_type3A_1263 = arith.truncf %reshape3A_1262 : vector<256x256xf32> to vector<256x256xbf16>
      %dot_general3A_1264 = arith.constant dense<0.000000e+00> : vector<256x256xf32>
      %dot_general3A_1265 = tpu.matmul %convert_element_type3A_1263, %convert_element_type3A_220, %dot_general3A_1264 {dimension_numbers = #tpu.dot_dimension_numbers<[1], [0], [0], [1], [0, 0, 1, 1], [], []>, transpose_lhs_hint = false} : vector<256x256xbf16>, vector<256x256xbf16>, vector<256x256xf32> -> vector<256x256xf32>
      %reshape3A_1266 = vector.shape_cast %dot_general3A_1265 : vector<256x256xf32> to vector<4x64x256xf32>
      %get3A_1267 = arith.constant 0 : index
      %get3A_1268 = arith.index_cast %add3A_1261 : i32 to index
      %get3A_1269 = arith.constant 0 : index
      %get3A_1270 = vector.load %arg8[%get3A_1267, %get3A_1268, %get3A_1269] : memref<4x512x256xf32, #tpu.memory_space<vmem>>, vector<4x1x256xf32>
      %get3A_1271 = vector.shape_cast %get3A_1270 : vector<4x1x256xf32> to vector<4x256xf32>
      %broadcast_in_dim3A_1272 = vector.shape_cast %get3A_1271 : vector<4x256xf32> to vector<4x1x256xf32>
      %mul3A_1273 = vector.broadcast %broadcast_in_dim3A_1272 : vector<4x1x256xf32> to vector<4x64x256xf32>
      %mul3A_1274 = arith.mulf %reshape3A_1266, %mul3A_1273 : vector<4x64x256xf32>
      %lt3A_1275 = vector.broadcast %add3A_1261 : i32 to vector<4x1x256xi32>
      %lt3A_1276 = arith.cmpi slt, %lt3A_1275, %broadcast_in_dim3A_258 : vector<4x1x256xi32>
      %broadcast_in_dim3A_1277 = vector.shape_cast %lt3A_1276 : vector<4x1x256xi1> to vector<4x1x256xi1>
      %broadcast_in_dim3A_1278 = vector.broadcast %broadcast_in_dim3A_1277 : vector<4x1x256xi1> to vector<4x64x256xi1>
      %select_n3A_1279 = arith.select %broadcast_in_dim3A_1278, %mul3A_1274, %select_n3A_1189 : vector<4x64x256xi1>, vector<4x64x256xf32>
      %reduce_max3A_1280 = arith.constant dense<0xFF800000> : vector<16xf32>
      %reduce_max3A_1281 = vector.multi_reduction <maximumf>, %select_n3A_1211, %reduce_max3A_1280 [1] : vector<16x64xf32> to vector<16xf32>
      %broadcast_in_dim3A_1282 = vector.shape_cast %reduce_max3A_1281 : vector<16xf32> to vector<16x1xf32>
      %div3A_1283 = arith.constant 1.000000e+00 : f32
      %div3A_1284 = vector.broadcast %div3A_1283 : f32 to vector<16x1xf32>
      %div3A_1285 = arith.divf %div3A_1284, %broadcast_in_dim3A_1282 : vector<16x1xf32>
      %mul3A_1286 = vector.broadcast %div3A_1285 : vector<16x1xf32> to vector<16x64xf32>
      %mul3A_1287 = arith.mulf %select_n3A_1211, %mul3A_1286 : vector<16x64xf32>
      %log3A_1288 = math.log %broadcast_in_dim3A_1282 : vector<16x1xf32>
      %add3A_1289 = arith.addf %scan3A_544, %log3A_1288 : vector<16x1xf32>
      %reduce_max3A_1290 = arith.constant dense<0xFF800000> : vector<16xf32>
      %reduce_max3A_1291 = vector.multi_reduction <maximumf>, %select_n3A_1231, %reduce_max3A_1290 [1] : vector<16x64xf32> to vector<16xf32>
      %broadcast_in_dim3A_1292 = vector.shape_cast %reduce_max3A_1291 : vector<16xf32> to vector<16x1xf32>
      %div3A_1293 = arith.constant 1.000000e+00 : f32
      %div3A_1294 = vector.broadcast %div3A_1293 : f32 to vector<16x1xf32>
      %div3A_1295 = arith.divf %div3A_1294, %broadcast_in_dim3A_1292 : vector<16x1xf32>
      %mul3A_1296 = vector.broadcast %div3A_1295 : vector<16x1xf32> to vector<16x64xf32>
      %mul3A_1297 = arith.mulf %select_n3A_1231, %mul3A_1296 : vector<16x64xf32>
      %log3A_1298 = math.log %broadcast_in_dim3A_1292 : vector<16x1xf32>
      %add3A_1299 = arith.addf %add3A_919, %log3A_1298 : vector<16x1xf32>
      %reduce_max3A_1300 = arith.constant dense<0xFF800000> : vector<4x256xf32>
      %reduce_max3A_1301 = vector.multi_reduction <maximumf>, %select_n3A_1255, %reduce_max3A_1300 [1] : vector<4x64x256xf32> to vector<4x256xf32>
      %broadcast_in_dim3A_1302 = vector.shape_cast %reduce_max3A_1301 : vector<4x256xf32> to vector<4x1x256xf32>
      %slice3A_1303 = vector.extract_strided_slice %broadcast_in_dim3A_1302 {offsets = [0, 0, 0], sizes = [4, 1, 64], strides = [1, 1, 1]} : vector<4x1x256xf32> to vector<4x1x64xf32>
      %reduce_max3A_1304 = arith.constant dense<0xFF800000> : vector<4x1xf32>
      %reduce_max3A_1305 = vector.multi_reduction <maximumf>, %slice3A_1303, %reduce_max3A_1304 [2] : vector<4x1x64xf32> to vector<4x1xf32>
      %broadcast_in_dim3A_1306 = vector.shape_cast %reduce_max3A_1305 : vector<4x1xf32> to vector<4x1x1xf32>
      %slice3A_1307 = vector.extract_strided_slice %broadcast_in_dim3A_1302 {offsets = [0, 0, 64], sizes = [4, 1, 64], strides = [1, 1, 1]} : vector<4x1x256xf32> to vector<4x1x64xf32>
      %reduce_max3A_1308 = arith.constant dense<0xFF800000> : vector<4x1xf32>
      %reduce_max3A_1309 = vector.multi_reduction <maximumf>, %slice3A_1307, %reduce_max3A_1308 [2] : vector<4x1x64xf32> to vector<4x1xf32>
      %broadcast_in_dim3A_1310 = vector.shape_cast %reduce_max3A_1309 : vector<4x1xf32> to vector<4x1x1xf32>
      %slice3A_1311 = vector.extract_strided_slice %broadcast_in_dim3A_1302 {offsets = [0, 0, 128], sizes = [4, 1, 64], strides = [1, 1, 1]} : vector<4x1x256xf32> to vector<4x1x64xf32>
      %reduce_max3A_1312 = arith.constant dense<0xFF800000> : vector<4x1xf32>
      %reduce_max3A_1313 = vector.multi_reduction <maximumf>, %slice3A_1311, %reduce_max3A_1312 [2] : vector<4x1x64xf32> to vector<4x1xf32>
      %broadcast_in_dim3A_1314 = vector.shape_cast %reduce_max3A_1313 : vector<4x1xf32> to vector<4x1x1xf32>
      %slice3A_1315 = vector.extract_strided_slice %broadcast_in_dim3A_1302 {offsets = [0, 0, 192], sizes = [4, 1, 64], strides = [1, 1, 1]} : vector<4x1x256xf32> to vector<4x1x64xf32>
      %reduce_max3A_1316 = arith.constant dense<0xFF800000> : vector<4x1xf32>
      %reduce_max3A_1317 = vector.multi_reduction <maximumf>, %slice3A_1315, %reduce_max3A_1316 [2] : vector<4x1x64xf32> to vector<4x1xf32>
      %broadcast_in_dim3A_1318 = vector.shape_cast %reduce_max3A_1317 : vector<4x1xf32> to vector<4x1x1xf32>
      %broadcast_in_dim3A_1319 = vector.shape_cast %broadcast_in_dim3A_1306 : vector<4x1x1xf32> to vector<4x1x1xf32>
      %broadcast_in_dim3A_1320 = vector.broadcast %broadcast_in_dim3A_1319 : vector<4x1x1xf32> to vector<4x1x64xf32>
      %broadcast_in_dim3A_1321 = vector.shape_cast %broadcast_in_dim3A_1310 : vector<4x1x1xf32> to vector<4x1x1xf32>
      %broadcast_in_dim3A_1322 = vector.broadcast %broadcast_in_dim3A_1321 : vector<4x1x1xf32> to vector<4x1x64xf32>
      %broadcast_in_dim3A_1323 = vector.shape_cast %broadcast_in_dim3A_1314 : vector<4x1x1xf32> to vector<4x1x1xf32>
      %broadcast_in_dim3A_1324 = vector.broadcast %broadcast_in_dim3A_1323 : vector<4x1x1xf32> to vector<4x1x64xf32>
      %broadcast_in_dim3A_1325 = vector.shape_cast %broadcast_in_dim3A_1318 : vector<4x1x1xf32> to vector<4x1x1xf32>
      %broadcast_in_dim3A_1326 = vector.broadcast %broadcast_in_dim3A_1325 : vector<4x1x1xf32> to vector<4x1x64xf32>
      %concatenate3A_1327 = tpu.concatenate %broadcast_in_dim3A_1320, %broadcast_in_dim3A_1322, %broadcast_in_dim3A_1324, %broadcast_in_dim3A_1326 in 2 : vector<4x1x64xf32>, vector<4x1x64xf32>, vector<4x1x64xf32>, vector<4x1x64xf32> -> vector<4x1x256xf32>
      %squeeze3A_1328 = vector.shape_cast %broadcast_in_dim3A_1306 : vector<4x1x1xf32> to vector<4x1xf32>
      %squeeze3A_1329 = vector.shape_cast %broadcast_in_dim3A_1310 : vector<4x1x1xf32> to vector<4x1xf32>
      %squeeze3A_1330 = vector.shape_cast %broadcast_in_dim3A_1314 : vector<4x1x1xf32> to vector<4x1xf32>
      %squeeze3A_1331 = vector.shape_cast %broadcast_in_dim3A_1318 : vector<4x1x1xf32> to vector<4x1xf32>
      %concatenate3A_1332 = tpu.concatenate %squeeze3A_1328, %squeeze3A_1329, %squeeze3A_1330, %squeeze3A_1331 in 0 : vector<4x1xf32>, vector<4x1xf32>, vector<4x1xf32>, vector<4x1xf32> -> vector<16x1xf32>
      %div3A_1333 = arith.constant 1.000000e+00 : f32
      %div3A_1334 = vector.broadcast %div3A_1333 : f32 to vector<4x1x256xf32>
      %div3A_1335 = arith.divf %div3A_1334, %concatenate3A_1327 : vector<4x1x256xf32>
      %mul3A_1336 = vector.broadcast %div3A_1335 : vector<4x1x256xf32> to vector<4x64x256xf32>
      %mul3A_1337 = arith.mulf %select_n3A_1255, %mul3A_1336 : vector<4x64x256xf32>
      %log3A_1338 = math.log %concatenate3A_1332 : vector<16x1xf32>
      %add3A_1339 = arith.addf %scan3A_548, %log3A_1338 : vector<16x1xf32>
      %reduce_max3A_1340 = arith.constant dense<0xFF800000> : vector<4x256xf32>
      %reduce_max3A_1341 = vector.multi_reduction <maximumf>, %select_n3A_1279, %reduce_max3A_1340 [1] : vector<4x64x256xf32> to vector<4x256xf32>
      %broadcast_in_dim3A_1342 = vector.shape_cast %reduce_max3A_1341 : vector<4x256xf32> to vector<4x1x256xf32>
      %slice3A_1343 = vector.extract_strided_slice %broadcast_in_dim3A_1342 {offsets = [0, 0, 0], sizes = [4, 1, 64], strides = [1, 1, 1]} : vector<4x1x256xf32> to vector<4x1x64xf32>
      %reduce_max3A_1344 = arith.constant dense<0xFF800000> : vector<4x1xf32>
      %reduce_max3A_1345 = vector.multi_reduction <maximumf>, %slice3A_1343, %reduce_max3A_1344 [2] : vector<4x1x64xf32> to vector<4x1xf32>
      %broadcast_in_dim3A_1346 = vector.shape_cast %reduce_max3A_1345 : vector<4x1xf32> to vector<4x1x1xf32>
      %slice3A_1347 = vector.extract_strided_slice %broadcast_in_dim3A_1342 {offsets = [0, 0, 64], sizes = [4, 1, 64], strides = [1, 1, 1]} : vector<4x1x256xf32> to vector<4x1x64xf32>
      %reduce_max3A_1348 = arith.constant dense<0xFF800000> : vector<4x1xf32>
      %reduce_max3A_1349 = vector.multi_reduction <maximumf>, %slice3A_1347, %reduce_max3A_1348 [2] : vector<4x1x64xf32> to vector<4x1xf32>
      %broadcast_in_dim3A_1350 = vector.shape_cast %reduce_max3A_1349 : vector<4x1xf32> to vector<4x1x1xf32>
      %slice3A_1351 = vector.extract_strided_slice %broadcast_in_dim3A_1342 {offsets = [0, 0, 128], sizes = [4, 1, 64], strides = [1, 1, 1]} : vector<4x1x256xf32> to vector<4x1x64xf32>
      %reduce_max3A_1352 = arith.constant dense<0xFF800000> : vector<4x1xf32>
      %reduce_max3A_1353 = vector.multi_reduction <maximumf>, %slice3A_1351, %reduce_max3A_1352 [2] : vector<4x1x64xf32> to vector<4x1xf32>
      %broadcast_in_dim3A_1354 = vector.shape_cast %reduce_max3A_1353 : vector<4x1xf32> to vector<4x1x1xf32>
      %slice3A_1355 = vector.extract_strided_slice %broadcast_in_dim3A_1342 {offsets = [0, 0, 192], sizes = [4, 1, 64], strides = [1, 1, 1]} : vector<4x1x256xf32> to vector<4x1x64xf32>
      %reduce_max3A_1356 = arith.constant dense<0xFF800000> : vector<4x1xf32>
      %reduce_max3A_1357 = vector.multi_reduction <maximumf>, %slice3A_1355, %reduce_max3A_1356 [2] : vector<4x1x64xf32> to vector<4x1xf32>
      %broadcast_in_dim3A_1358 = vector.shape_cast %reduce_max3A_1357 : vector<4x1xf32> to vector<4x1x1xf32>
      %broadcast_in_dim3A_1359 = vector.shape_cast %broadcast_in_dim3A_1346 : vector<4x1x1xf32> to vector<4x1x1xf32>
      %broadcast_in_dim3A_1360 = vector.broadcast %broadcast_in_dim3A_1359 : vector<4x1x1xf32> to vector<4x1x64xf32>
      %broadcast_in_dim3A_1361 = vector.shape_cast %broadcast_in_dim3A_1350 : vector<4x1x1xf32> to vector<4x1x1xf32>
      %broadcast_in_dim3A_1362 = vector.broadcast %broadcast_in_dim3A_1361 : vector<4x1x1xf32> to vector<4x1x64xf32>
      %broadcast_in_dim3A_1363 = vector.shape_cast %broadcast_in_dim3A_1354 : vector<4x1x1xf32> to vector<4x1x1xf32>
      %broadcast_in_dim3A_1364 = vector.broadcast %broadcast_in_dim3A_1363 : vector<4x1x1xf32> to vector<4x1x64xf32>
      %broadcast_in_dim3A_1365 = vector.shape_cast %broadcast_in_dim3A_1358 : vector<4x1x1xf32> to vector<4x1x1xf32>
      %broadcast_in_dim3A_1366 = vector.broadcast %broadcast_in_dim3A_1365 : vector<4x1x1xf32> to vector<4x1x64xf32>
      %concatenate3A_1367 = tpu.concatenate %broadcast_in_dim3A_1360, %broadcast_in_dim3A_1362, %broadcast_in_dim3A_1364, %broadcast_in_dim3A_1366 in 2 : vector<4x1x64xf32>, vector<4x1x64xf32>, vector<4x1x64xf32>, vector<4x1x64xf32> -> vector<4x1x256xf32>
      %squeeze3A_1368 = vector.shape_cast %broadcast_in_dim3A_1346 : vector<4x1x1xf32> to vector<4x1xf32>
      %squeeze3A_1369 = vector.shape_cast %broadcast_in_dim3A_1350 : vector<4x1x1xf32> to vector<4x1xf32>
      %squeeze3A_1370 = vector.shape_cast %broadcast_in_dim3A_1354 : vector<4x1x1xf32> to vector<4x1xf32>
      %squeeze3A_1371 = vector.shape_cast %broadcast_in_dim3A_1358 : vector<4x1x1xf32> to vector<4x1xf32>
      %concatenate3A_1372 = tpu.concatenate %squeeze3A_1368, %squeeze3A_1369, %squeeze3A_1370, %squeeze3A_1371 in 0 : vector<4x1xf32>, vector<4x1xf32>, vector<4x1xf32>, vector<4x1xf32> -> vector<16x1xf32>
      %div3A_1373 = arith.constant 1.000000e+00 : f32
      %div3A_1374 = vector.broadcast %div3A_1373 : f32 to vector<4x1x256xf32>
      %div3A_1375 = arith.divf %div3A_1374, %concatenate3A_1367 : vector<4x1x256xf32>
      %mul3A_1376 = vector.broadcast %div3A_1375 : vector<4x1x256xf32> to vector<4x64x256xf32>
      %mul3A_1377 = arith.mulf %select_n3A_1279, %mul3A_1376 : vector<4x64x256xf32>
      %log3A_1378 = math.log %concatenate3A_1372 : vector<16x1xf32>
      %add3A_1379 = arith.addf %scan3A_550, %log3A_1378 : vector<16x1xf32>
      scf.yield %mul3A_1287, %add3A_1289, %mul3A_1297, %add3A_1299, %mul3A_1337, %add3A_1339, %mul3A_1377, %add3A_1379 : vector<16x64xf32>, vector<16x1xf32>, vector<16x64xf32>, vector<16x1xf32>, vector<4x64x256xf32>, vector<16x1xf32>, vector<4x64x256xf32>, vector<16x1xf32>
    }
    %scan3A_267 = arith.constant 16 : i32
    %slice3A_268 = vector.extract_strided_slice %scan3A_266#4 {offsets = [0, 0, 0], sizes = [1, 64, 256], strides = [1, 1, 1]} : vector<4x64x256xf32> to vector<1x64x256xf32>
    %squeeze3A_269 = vector.shape_cast %slice3A_268 : vector<1x64x256xf32> to vector<64x256xf32>
    %slice3A_270 = vector.extract_strided_slice %squeeze3A_269 {offsets = [0, 0], sizes = [64, 64], strides = [1, 1]} : vector<64x256xf32> to vector<64x64xf32>
    %convert_element_type3A_271 = arith.truncf %slice3A_270 : vector<64x64xf32> to vector<64x64xbf16>
    %slice3A_272 = vector.extract_strided_slice %scan3A_266#0 {offsets = [0, 0], sizes = [1, 64], strides = [1, 1]} : vector<16x64xf32> to vector<1x64xf32>
    %convert_element_type3A_273 = arith.truncf %slice3A_272 : vector<1x64xf32> to vector<1x64xbf16>
    %dot_general3A = arith.constant dense<0.000000e+00> : vector<1x64xf32>
    %dot_general3A_274 = tpu.matmul %convert_element_type3A_273, %convert_element_type3A_271, %dot_general3A {dimension_numbers = #tpu.dot_dimension_numbers<[1], [0], [0], [1], [0, 0, 1, 1], [], []>, transpose_lhs_hint = false} : vector<1x64xbf16>, vector<64x64xbf16>, vector<1x64xf32> -> vector<1x64xf32>
    %slice3A_275 = vector.extract_strided_slice %scan3A_266#4 {offsets = [1, 0, 0], sizes = [1, 64, 256], strides = [1, 1, 1]} : vector<4x64x256xf32> to vector<1x64x256xf32>
    %squeeze3A_276 = vector.shape_cast %slice3A_275 : vector<1x64x256xf32> to vector<64x256xf32>
    %slice3A_277 = vector.extract_strided_slice %squeeze3A_276 {offsets = [0, 0], sizes = [64, 64], strides = [1, 1]} : vector<64x256xf32> to vector<64x64xf32>
    %convert_element_type3A_278 = arith.truncf %slice3A_277 : vector<64x64xf32> to vector<64x64xbf16>
    %slice3A_279 = vector.extract_strided_slice %scan3A_266#0 {offsets = [1, 0], sizes = [1, 64], strides = [1, 1]} : vector<16x64xf32> to vector<1x64xf32>
    %convert_element_type3A_280 = arith.truncf %slice3A_279 : vector<1x64xf32> to vector<1x64xbf16>
    %dot_general3A_281 = arith.constant dense<0.000000e+00> : vector<1x64xf32>
    %dot_general3A_282 = tpu.matmul %convert_element_type3A_280, %convert_element_type3A_278, %dot_general3A_281 {dimension_numbers = #tpu.dot_dimension_numbers<[1], [0], [0], [1], [0, 0, 1, 1], [], []>, transpose_lhs_hint = false} : vector<1x64xbf16>, vector<64x64xbf16>, vector<1x64xf32> -> vector<1x64xf32>
    %slice3A_283 = vector.extract_strided_slice %scan3A_266#4 {offsets = [2, 0, 0], sizes = [1, 64, 256], strides = [1, 1, 1]} : vector<4x64x256xf32> to vector<1x64x256xf32>
    %squeeze3A_284 = vector.shape_cast %slice3A_283 : vector<1x64x256xf32> to vector<64x256xf32>
    %slice3A_285 = vector.extract_strided_slice %squeeze3A_284 {offsets = [0, 0], sizes = [64, 64], strides = [1, 1]} : vector<64x256xf32> to vector<64x64xf32>
    %convert_element_type3A_286 = arith.truncf %slice3A_285 : vector<64x64xf32> to vector<64x64xbf16>
    %slice3A_287 = vector.extract_strided_slice %scan3A_266#0 {offsets = [2, 0], sizes = [1, 64], strides = [1, 1]} : vector<16x64xf32> to vector<1x64xf32>
    %convert_element_type3A_288 = arith.truncf %slice3A_287 : vector<1x64xf32> to vector<1x64xbf16>
    %dot_general3A_289 = arith.constant dense<0.000000e+00> : vector<1x64xf32>
    %dot_general3A_290 = tpu.matmul %convert_element_type3A_288, %convert_element_type3A_286, %dot_general3A_289 {dimension_numbers = #tpu.dot_dimension_numbers<[1], [0], [0], [1], [0, 0, 1, 1], [], []>, transpose_lhs_hint = false} : vector<1x64xbf16>, vector<64x64xbf16>, vector<1x64xf32> -> vector<1x64xf32>
    %slice3A_291 = vector.extract_strided_slice %scan3A_266#4 {offsets = [3, 0, 0], sizes = [1, 64, 256], strides = [1, 1, 1]} : vector<4x64x256xf32> to vector<1x64x256xf32>
    %squeeze3A_292 = vector.shape_cast %slice3A_291 : vector<1x64x256xf32> to vector<64x256xf32>
    %slice3A_293 = vector.extract_strided_slice %squeeze3A_292 {offsets = [0, 0], sizes = [64, 64], strides = [1, 1]} : vector<64x256xf32> to vector<64x64xf32>
    %convert_element_type3A_294 = arith.truncf %slice3A_293 : vector<64x64xf32> to vector<64x64xbf16>
    %slice3A_295 = vector.extract_strided_slice %scan3A_266#0 {offsets = [3, 0], sizes = [1, 64], strides = [1, 1]} : vector<16x64xf32> to vector<1x64xf32>
    %convert_element_type3A_296 = arith.truncf %slice3A_295 : vector<1x64xf32> to vector<1x64xbf16>
    %dot_general3A_297 = arith.constant dense<0.000000e+00> : vector<1x64xf32>
    %dot_general3A_298 = tpu.matmul %convert_element_type3A_296, %convert_element_type3A_294, %dot_general3A_297 {dimension_numbers = #tpu.dot_dimension_numbers<[1], [0], [0], [1], [0, 0, 1, 1], [], []>, transpose_lhs_hint = false} : vector<1x64xbf16>, vector<64x64xbf16>, vector<1x64xf32> -> vector<1x64xf32>
    %slice3A_299 = vector.extract_strided_slice %scan3A_266#4 {offsets = [0, 0, 0], sizes = [1, 64, 256], strides = [1, 1, 1]} : vector<4x64x256xf32> to vector<1x64x256xf32>
    %squeeze3A_300 = vector.shape_cast %slice3A_299 : vector<1x64x256xf32> to vector<64x256xf32>
    %slice3A_301 = vector.extract_strided_slice %squeeze3A_300 {offsets = [0, 64], sizes = [64, 64], strides = [1, 1]} : vector<64x256xf32> to vector<64x64xf32>
    %convert_element_type3A_302 = arith.truncf %slice3A_301 : vector<64x64xf32> to vector<64x64xbf16>
    %slice3A_303 = vector.extract_strided_slice %scan3A_266#0 {offsets = [4, 0], sizes = [1, 64], strides = [1, 1]} : vector<16x64xf32> to vector<1x64xf32>
    %convert_element_type3A_304 = arith.truncf %slice3A_303 : vector<1x64xf32> to vector<1x64xbf16>
    %dot_general3A_305 = arith.constant dense<0.000000e+00> : vector<1x64xf32>
    %dot_general3A_306 = tpu.matmul %convert_element_type3A_304, %convert_element_type3A_302, %dot_general3A_305 {dimension_numbers = #tpu.dot_dimension_numbers<[1], [0], [0], [1], [0, 0, 1, 1], [], []>, transpose_lhs_hint = false} : vector<1x64xbf16>, vector<64x64xbf16>, vector<1x64xf32> -> vector<1x64xf32>
    %slice3A_307 = vector.extract_strided_slice %scan3A_266#4 {offsets = [1, 0, 0], sizes = [1, 64, 256], strides = [1, 1, 1]} : vector<4x64x256xf32> to vector<1x64x256xf32>
    %squeeze3A_308 = vector.shape_cast %slice3A_307 : vector<1x64x256xf32> to vector<64x256xf32>
    %slice3A_309 = vector.extract_strided_slice %squeeze3A_308 {offsets = [0, 64], sizes = [64, 64], strides = [1, 1]} : vector<64x256xf32> to vector<64x64xf32>
    %convert_element_type3A_310 = arith.truncf %slice3A_309 : vector<64x64xf32> to vector<64x64xbf16>
    %slice3A_311 = vector.extract_strided_slice %scan3A_266#0 {offsets = [5, 0], sizes = [1, 64], strides = [1, 1]} : vector<16x64xf32> to vector<1x64xf32>
    %convert_element_type3A_312 = arith.truncf %slice3A_311 : vector<1x64xf32> to vector<1x64xbf16>
    %dot_general3A_313 = arith.constant dense<0.000000e+00> : vector<1x64xf32>
    %dot_general3A_314 = tpu.matmul %convert_element_type3A_312, %convert_element_type3A_310, %dot_general3A_313 {dimension_numbers = #tpu.dot_dimension_numbers<[1], [0], [0], [1], [0, 0, 1, 1], [], []>, transpose_lhs_hint = false} : vector<1x64xbf16>, vector<64x64xbf16>, vector<1x64xf32> -> vector<1x64xf32>
    %slice3A_315 = vector.extract_strided_slice %scan3A_266#4 {offsets = [2, 0, 0], sizes = [1, 64, 256], strides = [1, 1, 1]} : vector<4x64x256xf32> to vector<1x64x256xf32>
    %squeeze3A_316 = vector.shape_cast %slice3A_315 : vector<1x64x256xf32> to vector<64x256xf32>
    %slice3A_317 = vector.extract_strided_slice %squeeze3A_316 {offsets = [0, 64], sizes = [64, 64], strides = [1, 1]} : vector<64x256xf32> to vector<64x64xf32>
    %convert_element_type3A_318 = arith.truncf %slice3A_317 : vector<64x64xf32> to vector<64x64xbf16>
    %slice3A_319 = vector.extract_strided_slice %scan3A_266#0 {offsets = [6, 0], sizes = [1, 64], strides = [1, 1]} : vector<16x64xf32> to vector<1x64xf32>
    %convert_element_type3A_320 = arith.truncf %slice3A_319 : vector<1x64xf32> to vector<1x64xbf16>
    %dot_general3A_321 = arith.constant dense<0.000000e+00> : vector<1x64xf32>
    %dot_general3A_322 = tpu.matmul %convert_element_type3A_320, %convert_element_type3A_318, %dot_general3A_321 {dimension_numbers = #tpu.dot_dimension_numbers<[1], [0], [0], [1], [0, 0, 1, 1], [], []>, transpose_lhs_hint = false} : vector<1x64xbf16>, vector<64x64xbf16>, vector<1x64xf32> -> vector<1x64xf32>
    %slice3A_323 = vector.extract_strided_slice %scan3A_266#4 {offsets = [3, 0, 0], sizes = [1, 64, 256], strides = [1, 1, 1]} : vector<4x64x256xf32> to vector<1x64x256xf32>
    %squeeze3A_324 = vector.shape_cast %slice3A_323 : vector<1x64x256xf32> to vector<64x256xf32>
    %slice3A_325 = vector.extract_strided_slice %squeeze3A_324 {offsets = [0, 64], sizes = [64, 64], strides = [1, 1]} : vector<64x256xf32> to vector<64x64xf32>
    %convert_element_type3A_326 = arith.truncf %slice3A_325 : vector<64x64xf32> to vector<64x64xbf16>
    %slice3A_327 = vector.extract_strided_slice %scan3A_266#0 {offsets = [7, 0], sizes = [1, 64], strides = [1, 1]} : vector<16x64xf32> to vector<1x64xf32>
    %convert_element_type3A_328 = arith.truncf %slice3A_327 : vector<1x64xf32> to vector<1x64xbf16>
    %dot_general3A_329 = arith.constant dense<0.000000e+00> : vector<1x64xf32>
    %dot_general3A_330 = tpu.matmul %convert_element_type3A_328, %convert_element_type3A_326, %dot_general3A_329 {dimension_numbers = #tpu.dot_dimension_numbers<[1], [0], [0], [1], [0, 0, 1, 1], [], []>, transpose_lhs_hint = false} : vector<1x64xbf16>, vector<64x64xbf16>, vector<1x64xf32> -> vector<1x64xf32>
    %slice3A_331 = vector.extract_strided_slice %scan3A_266#4 {offsets = [0, 0, 0], sizes = [1, 64, 256], strides = [1, 1, 1]} : vector<4x64x256xf32> to vector<1x64x256xf32>
    %squeeze3A_332 = vector.shape_cast %slice3A_331 : vector<1x64x256xf32> to vector<64x256xf32>
    %slice3A_333 = vector.extract_strided_slice %squeeze3A_332 {offsets = [0, 128], sizes = [64, 64], strides = [1, 1]} : vector<64x256xf32> to vector<64x64xf32>
    %convert_element_type3A_334 = arith.truncf %slice3A_333 : vector<64x64xf32> to vector<64x64xbf16>
    %slice3A_335 = vector.extract_strided_slice %scan3A_266#0 {offsets = [8, 0], sizes = [1, 64], strides = [1, 1]} : vector<16x64xf32> to vector<1x64xf32>
    %convert_element_type3A_336 = arith.truncf %slice3A_335 : vector<1x64xf32> to vector<1x64xbf16>
    %dot_general3A_337 = arith.constant dense<0.000000e+00> : vector<1x64xf32>
    %dot_general3A_338 = tpu.matmul %convert_element_type3A_336, %convert_element_type3A_334, %dot_general3A_337 {dimension_numbers = #tpu.dot_dimension_numbers<[1], [0], [0], [1], [0, 0, 1, 1], [], []>, transpose_lhs_hint = false} : vector<1x64xbf16>, vector<64x64xbf16>, vector<1x64xf32> -> vector<1x64xf32>
    %slice3A_339 = vector.extract_strided_slice %scan3A_266#4 {offsets = [1, 0, 0], sizes = [1, 64, 256], strides = [1, 1, 1]} : vector<4x64x256xf32> to vector<1x64x256xf32>
    %squeeze3A_340 = vector.shape_cast %slice3A_339 : vector<1x64x256xf32> to vector<64x256xf32>
    %slice3A_341 = vector.extract_strided_slice %squeeze3A_340 {offsets = [0, 128], sizes = [64, 64], strides = [1, 1]} : vector<64x256xf32> to vector<64x64xf32>
    %convert_element_type3A_342 = arith.truncf %slice3A_341 : vector<64x64xf32> to vector<64x64xbf16>
    %slice3A_343 = vector.extract_strided_slice %scan3A_266#0 {offsets = [9, 0], sizes = [1, 64], strides = [1, 1]} : vector<16x64xf32> to vector<1x64xf32>
    %convert_element_type3A_344 = arith.truncf %slice3A_343 : vector<1x64xf32> to vector<1x64xbf16>
    %dot_general3A_345 = arith.constant dense<0.000000e+00> : vector<1x64xf32>
    %dot_general3A_346 = tpu.matmul %convert_element_type3A_344, %convert_element_type3A_342, %dot_general3A_345 {dimension_numbers = #tpu.dot_dimension_numbers<[1], [0], [0], [1], [0, 0, 1, 1], [], []>, transpose_lhs_hint = false} : vector<1x64xbf16>, vector<64x64xbf16>, vector<1x64xf32> -> vector<1x64xf32>
    %slice3A_347 = vector.extract_strided_slice %scan3A_266#4 {offsets = [2, 0, 0], sizes = [1, 64, 256], strides = [1, 1, 1]} : vector<4x64x256xf32> to vector<1x64x256xf32>
    %squeeze3A_348 = vector.shape_cast %slice3A_347 : vector<1x64x256xf32> to vector<64x256xf32>
    %slice3A_349 = vector.extract_strided_slice %squeeze3A_348 {offsets = [0, 128], sizes = [64, 64], strides = [1, 1]} : vector<64x256xf32> to vector<64x64xf32>
    %convert_element_type3A_350 = arith.truncf %slice3A_349 : vector<64x64xf32> to vector<64x64xbf16>
    %slice3A_351 = vector.extract_strided_slice %scan3A_266#0 {offsets = [10, 0], sizes = [1, 64], strides = [1, 1]} : vector<16x64xf32> to vector<1x64xf32>
    %convert_element_type3A_352 = arith.truncf %slice3A_351 : vector<1x64xf32> to vector<1x64xbf16>
    %dot_general3A_353 = arith.constant dense<0.000000e+00> : vector<1x64xf32>
    %dot_general3A_354 = tpu.matmul %convert_element_type3A_352, %convert_element_type3A_350, %dot_general3A_353 {dimension_numbers = #tpu.dot_dimension_numbers<[1], [0], [0], [1], [0, 0, 1, 1], [], []>, transpose_lhs_hint = false} : vector<1x64xbf16>, vector<64x64xbf16>, vector<1x64xf32> -> vector<1x64xf32>
    %slice3A_355 = vector.extract_strided_slice %scan3A_266#4 {offsets = [3, 0, 0], sizes = [1, 64, 256], strides = [1, 1, 1]} : vector<4x64x256xf32> to vector<1x64x256xf32>
    %squeeze3A_356 = vector.shape_cast %slice3A_355 : vector<1x64x256xf32> to vector<64x256xf32>
    %slice3A_357 = vector.extract_strided_slice %squeeze3A_356 {offsets = [0, 128], sizes = [64, 64], strides = [1, 1]} : vector<64x256xf32> to vector<64x64xf32>
    %convert_element_type3A_358 = arith.truncf %slice3A_357 : vector<64x64xf32> to vector<64x64xbf16>
    %slice3A_359 = vector.extract_strided_slice %scan3A_266#0 {offsets = [11, 0], sizes = [1, 64], strides = [1, 1]} : vector<16x64xf32> to vector<1x64xf32>
    %convert_element_type3A_360 = arith.truncf %slice3A_359 : vector<1x64xf32> to vector<1x64xbf16>
    %dot_general3A_361 = arith.constant dense<0.000000e+00> : vector<1x64xf32>
    %dot_general3A_362 = tpu.matmul %convert_element_type3A_360, %convert_element_type3A_358, %dot_general3A_361 {dimension_numbers = #tpu.dot_dimension_numbers<[1], [0], [0], [1], [0, 0, 1, 1], [], []>, transpose_lhs_hint = false} : vector<1x64xbf16>, vector<64x64xbf16>, vector<1x64xf32> -> vector<1x64xf32>
    %slice3A_363 = vector.extract_strided_slice %scan3A_266#4 {offsets = [0, 0, 0], sizes = [1, 64, 256], strides = [1, 1, 1]} : vector<4x64x256xf32> to vector<1x64x256xf32>
    %squeeze3A_364 = vector.shape_cast %slice3A_363 : vector<1x64x256xf32> to vector<64x256xf32>
    %slice3A_365 = vector.extract_strided_slice %squeeze3A_364 {offsets = [0, 192], sizes = [64, 64], strides = [1, 1]} : vector<64x256xf32> to vector<64x64xf32>
    %convert_element_type3A_366 = arith.truncf %slice3A_365 : vector<64x64xf32> to vector<64x64xbf16>
    %slice3A_367 = vector.extract_strided_slice %scan3A_266#0 {offsets = [12, 0], sizes = [1, 64], strides = [1, 1]} : vector<16x64xf32> to vector<1x64xf32>
    %convert_element_type3A_368 = arith.truncf %slice3A_367 : vector<1x64xf32> to vector<1x64xbf16>
    %dot_general3A_369 = arith.constant dense<0.000000e+00> : vector<1x64xf32>
    %dot_general3A_370 = tpu.matmul %convert_element_type3A_368, %convert_element_type3A_366, %dot_general3A_369 {dimension_numbers = #tpu.dot_dimension_numbers<[1], [0], [0], [1], [0, 0, 1, 1], [], []>, transpose_lhs_hint = false} : vector<1x64xbf16>, vector<64x64xbf16>, vector<1x64xf32> -> vector<1x64xf32>
    %slice3A_371 = vector.extract_strided_slice %scan3A_266#4 {offsets = [1, 0, 0], sizes = [1, 64, 256], strides = [1, 1, 1]} : vector<4x64x256xf32> to vector<1x64x256xf32>
    %squeeze3A_372 = vector.shape_cast %slice3A_371 : vector<1x64x256xf32> to vector<64x256xf32>
    %slice3A_373 = vector.extract_strided_slice %squeeze3A_372 {offsets = [0, 192], sizes = [64, 64], strides = [1, 1]} : vector<64x256xf32> to vector<64x64xf32>
    %convert_element_type3A_374 = arith.truncf %slice3A_373 : vector<64x64xf32> to vector<64x64xbf16>
    %slice3A_375 = vector.extract_strided_slice %scan3A_266#0 {offsets = [13, 0], sizes = [1, 64], strides = [1, 1]} : vector<16x64xf32> to vector<1x64xf32>
    %convert_element_type3A_376 = arith.truncf %slice3A_375 : vector<1x64xf32> to vector<1x64xbf16>
    %dot_general3A_377 = arith.constant dense<0.000000e+00> : vector<1x64xf32>
    %dot_general3A_378 = tpu.matmul %convert_element_type3A_376, %convert_element_type3A_374, %dot_general3A_377 {dimension_numbers = #tpu.dot_dimension_numbers<[1], [0], [0], [1], [0, 0, 1, 1], [], []>, transpose_lhs_hint = false} : vector<1x64xbf16>, vector<64x64xbf16>, vector<1x64xf32> -> vector<1x64xf32>
    %slice3A_379 = vector.extract_strided_slice %scan3A_266#4 {offsets = [2, 0, 0], sizes = [1, 64, 256], strides = [1, 1, 1]} : vector<4x64x256xf32> to vector<1x64x256xf32>
    %squeeze3A_380 = vector.shape_cast %slice3A_379 : vector<1x64x256xf32> to vector<64x256xf32>
    %slice3A_381 = vector.extract_strided_slice %squeeze3A_380 {offsets = [0, 192], sizes = [64, 64], strides = [1, 1]} : vector<64x256xf32> to vector<64x64xf32>
    %convert_element_type3A_382 = arith.truncf %slice3A_381 : vector<64x64xf32> to vector<64x64xbf16>
    %slice3A_383 = vector.extract_strided_slice %scan3A_266#0 {offsets = [14, 0], sizes = [1, 64], strides = [1, 1]} : vector<16x64xf32> to vector<1x64xf32>
    %convert_element_type3A_384 = arith.truncf %slice3A_383 : vector<1x64xf32> to vector<1x64xbf16>
    %dot_general3A_385 = arith.constant dense<0.000000e+00> : vector<1x64xf32>
    %dot_general3A_386 = tpu.matmul %convert_element_type3A_384, %convert_element_type3A_382, %dot_general3A_385 {dimension_numbers = #tpu.dot_dimension_numbers<[1], [0], [0], [1], [0, 0, 1, 1], [], []>, transpose_lhs_hint = false} : vector<1x64xbf16>, vector<64x64xbf16>, vector<1x64xf32> -> vector<1x64xf32>
    %slice3A_387 = vector.extract_strided_slice %scan3A_266#4 {offsets = [3, 0, 0], sizes = [1, 64, 256], strides = [1, 1, 1]} : vector<4x64x256xf32> to vector<1x64x256xf32>
    %squeeze3A_388 = vector.shape_cast %slice3A_387 : vector<1x64x256xf32> to vector<64x256xf32>
    %slice3A_389 = vector.extract_strided_slice %squeeze3A_388 {offsets = [0, 192], sizes = [64, 64], strides = [1, 1]} : vector<64x256xf32> to vector<64x64xf32>
    %convert_element_type3A_390 = arith.truncf %slice3A_389 : vector<64x64xf32> to vector<64x64xbf16>
    %slice3A_391 = vector.extract_strided_slice %scan3A_266#0 {offsets = [15, 0], sizes = [1, 64], strides = [1, 1]} : vector<16x64xf32> to vector<1x64xf32>
    %convert_element_type3A_392 = arith.truncf %slice3A_391 : vector<1x64xf32> to vector<1x64xbf16>
    %dot_general3A_393 = arith.constant dense<0.000000e+00> : vector<1x64xf32>
    %dot_general3A_394 = tpu.matmul %convert_element_type3A_392, %convert_element_type3A_390, %dot_general3A_393 {dimension_numbers = #tpu.dot_dimension_numbers<[1], [0], [0], [1], [0, 0, 1, 1], [], []>, transpose_lhs_hint = false} : vector<1x64xbf16>, vector<64x64xbf16>, vector<1x64xf32> -> vector<1x64xf32>
    %concatenate3A_395 = tpu.concatenate %dot_general3A_274, %dot_general3A_282, %dot_general3A_290, %dot_general3A_298, %dot_general3A_306, %dot_general3A_314, %dot_general3A_322, %dot_general3A_330, %dot_general3A_338, %dot_general3A_346, %dot_general3A_354, %dot_general3A_362, %dot_general3A_370, %dot_general3A_378, %dot_general3A_386, %dot_general3A_394 in 0 : vector<1x64xf32>, vector<1x64xf32>, vector<1x64xf32>, vector<1x64xf32>, vector<1x64xf32>, vector<1x64xf32>, vector<1x64xf32>, vector<1x64xf32>, vector<1x64xf32>, vector<1x64xf32>, vector<1x64xf32>, vector<1x64xf32>, vector<1x64xf32>, vector<1x64xf32>, vector<1x64xf32>, vector<1x64xf32> -> vector<16x64xf32>
    %slice3A_396 = vector.extract_strided_slice %scan3A_266#6 {offsets = [0, 0, 0], sizes = [1, 64, 256], strides = [1, 1, 1]} : vector<4x64x256xf32> to vector<1x64x256xf32>
    %squeeze3A_397 = vector.shape_cast %slice3A_396 : vector<1x64x256xf32> to vector<64x256xf32>
    %slice3A_398 = vector.extract_strided_slice %squeeze3A_397 {offsets = [0, 0], sizes = [64, 64], strides = [1, 1]} : vector<64x256xf32> to vector<64x64xf32>
    %convert_element_type3A_399 = arith.truncf %slice3A_398 : vector<64x64xf32> to vector<64x64xbf16>
    %slice3A_400 = vector.extract_strided_slice %concatenate3A_395 {offsets = [0, 0], sizes = [1, 64], strides = [1, 1]} : vector<16x64xf32> to vector<1x64xf32>
    %convert_element_type3A_401 = arith.truncf %slice3A_400 : vector<1x64xf32> to vector<1x64xbf16>
    %dot_general3A_402 = arith.constant dense<0.000000e+00> : vector<1x64xf32>
    %dot_general3A_403 = tpu.matmul %convert_element_type3A_401, %convert_element_type3A_399, %dot_general3A_402 {dimension_numbers = #tpu.dot_dimension_numbers<[1], [0], [0], [1], [0, 0, 1, 1], [], []>, transpose_lhs_hint = false} : vector<1x64xbf16>, vector<64x64xbf16>, vector<1x64xf32> -> vector<1x64xf32>
    %slice3A_404 = vector.extract_strided_slice %scan3A_266#6 {offsets = [1, 0, 0], sizes = [1, 64, 256], strides = [1, 1, 1]} : vector<4x64x256xf32> to vector<1x64x256xf32>
    %squeeze3A_405 = vector.shape_cast %slice3A_404 : vector<1x64x256xf32> to vector<64x256xf32>
    %slice3A_406 = vector.extract_strided_slice %squeeze3A_405 {offsets = [0, 0], sizes = [64, 64], strides = [1, 1]} : vector<64x256xf32> to vector<64x64xf32>
    %convert_element_type3A_407 = arith.truncf %slice3A_406 : vector<64x64xf32> to vector<64x64xbf16>
    %slice3A_408 = vector.extract_strided_slice %concatenate3A_395 {offsets = [1, 0], sizes = [1, 64], strides = [1, 1]} : vector<16x64xf32> to vector<1x64xf32>
    %convert_element_type3A_409 = arith.truncf %slice3A_408 : vector<1x64xf32> to vector<1x64xbf16>
    %dot_general3A_410 = arith.constant dense<0.000000e+00> : vector<1x64xf32>
    %dot_general3A_411 = tpu.matmul %convert_element_type3A_409, %convert_element_type3A_407, %dot_general3A_410 {dimension_numbers = #tpu.dot_dimension_numbers<[1], [0], [0], [1], [0, 0, 1, 1], [], []>, transpose_lhs_hint = false} : vector<1x64xbf16>, vector<64x64xbf16>, vector<1x64xf32> -> vector<1x64xf32>
    %slice3A_412 = vector.extract_strided_slice %scan3A_266#6 {offsets = [2, 0, 0], sizes = [1, 64, 256], strides = [1, 1, 1]} : vector<4x64x256xf32> to vector<1x64x256xf32>
    %squeeze3A_413 = vector.shape_cast %slice3A_412 : vector<1x64x256xf32> to vector<64x256xf32>
    %slice3A_414 = vector.extract_strided_slice %squeeze3A_413 {offsets = [0, 0], sizes = [64, 64], strides = [1, 1]} : vector<64x256xf32> to vector<64x64xf32>
    %convert_element_type3A_415 = arith.truncf %slice3A_414 : vector<64x64xf32> to vector<64x64xbf16>
    %slice3A_416 = vector.extract_strided_slice %concatenate3A_395 {offsets = [2, 0], sizes = [1, 64], strides = [1, 1]} : vector<16x64xf32> to vector<1x64xf32>
    %convert_element_type3A_417 = arith.truncf %slice3A_416 : vector<1x64xf32> to vector<1x64xbf16>
    %dot_general3A_418 = arith.constant dense<0.000000e+00> : vector<1x64xf32>
    %dot_general3A_419 = tpu.matmul %convert_element_type3A_417, %convert_element_type3A_415, %dot_general3A_418 {dimension_numbers = #tpu.dot_dimension_numbers<[1], [0], [0], [1], [0, 0, 1, 1], [], []>, transpose_lhs_hint = false} : vector<1x64xbf16>, vector<64x64xbf16>, vector<1x64xf32> -> vector<1x64xf32>
    %slice3A_420 = vector.extract_strided_slice %scan3A_266#6 {offsets = [3, 0, 0], sizes = [1, 64, 256], strides = [1, 1, 1]} : vector<4x64x256xf32> to vector<1x64x256xf32>
    %squeeze3A_421 = vector.shape_cast %slice3A_420 : vector<1x64x256xf32> to vector<64x256xf32>
    %slice3A_422 = vector.extract_strided_slice %squeeze3A_421 {offsets = [0, 0], sizes = [64, 64], strides = [1, 1]} : vector<64x256xf32> to vector<64x64xf32>
    %convert_element_type3A_423 = arith.truncf %slice3A_422 : vector<64x64xf32> to vector<64x64xbf16>
    %slice3A_424 = vector.extract_strided_slice %concatenate3A_395 {offsets = [3, 0], sizes = [1, 64], strides = [1, 1]} : vector<16x64xf32> to vector<1x64xf32>
    %convert_element_type3A_425 = arith.truncf %slice3A_424 : vector<1x64xf32> to vector<1x64xbf16>
    %dot_general3A_426 = arith.constant dense<0.000000e+00> : vector<1x64xf32>
    %dot_general3A_427 = tpu.matmul %convert_element_type3A_425, %convert_element_type3A_423, %dot_general3A_426 {dimension_numbers = #tpu.dot_dimension_numbers<[1], [0], [0], [1], [0, 0, 1, 1], [], []>, transpose_lhs_hint = false} : vector<1x64xbf16>, vector<64x64xbf16>, vector<1x64xf32> -> vector<1x64xf32>
    %slice3A_428 = vector.extract_strided_slice %scan3A_266#6 {offsets = [0, 0, 0], sizes = [1, 64, 256], strides = [1, 1, 1]} : vector<4x64x256xf32> to vector<1x64x256xf32>
    %squeeze3A_429 = vector.shape_cast %slice3A_428 : vector<1x64x256xf32> to vector<64x256xf32>
    %slice3A_430 = vector.extract_strided_slice %squeeze3A_429 {offsets = [0, 64], sizes = [64, 64], strides = [1, 1]} : vector<64x256xf32> to vector<64x64xf32>
    %convert_element_type3A_431 = arith.truncf %slice3A_430 : vector<64x64xf32> to vector<64x64xbf16>
    %slice3A_432 = vector.extract_strided_slice %concatenate3A_395 {offsets = [4, 0], sizes = [1, 64], strides = [1, 1]} : vector<16x64xf32> to vector<1x64xf32>
    %convert_element_type3A_433 = arith.truncf %slice3A_432 : vector<1x64xf32> to vector<1x64xbf16>
    %dot_general3A_434 = arith.constant dense<0.000000e+00> : vector<1x64xf32>
    %dot_general3A_435 = tpu.matmul %convert_element_type3A_433, %convert_element_type3A_431, %dot_general3A_434 {dimension_numbers = #tpu.dot_dimension_numbers<[1], [0], [0], [1], [0, 0, 1, 1], [], []>, transpose_lhs_hint = false} : vector<1x64xbf16>, vector<64x64xbf16>, vector<1x64xf32> -> vector<1x64xf32>
    %slice3A_436 = vector.extract_strided_slice %scan3A_266#6 {offsets = [1, 0, 0], sizes = [1, 64, 256], strides = [1, 1, 1]} : vector<4x64x256xf32> to vector<1x64x256xf32>
    %squeeze3A_437 = vector.shape_cast %slice3A_436 : vector<1x64x256xf32> to vector<64x256xf32>
    %slice3A_438 = vector.extract_strided_slice %squeeze3A_437 {offsets = [0, 64], sizes = [64, 64], strides = [1, 1]} : vector<64x256xf32> to vector<64x64xf32>
    %convert_element_type3A_439 = arith.truncf %slice3A_438 : vector<64x64xf32> to vector<64x64xbf16>
    %slice3A_440 = vector.extract_strided_slice %concatenate3A_395 {offsets = [5, 0], sizes = [1, 64], strides = [1, 1]} : vector<16x64xf32> to vector<1x64xf32>
    %convert_element_type3A_441 = arith.truncf %slice3A_440 : vector<1x64xf32> to vector<1x64xbf16>
    %dot_general3A_442 = arith.constant dense<0.000000e+00> : vector<1x64xf32>
    %dot_general3A_443 = tpu.matmul %convert_element_type3A_441, %convert_element_type3A_439, %dot_general3A_442 {dimension_numbers = #tpu.dot_dimension_numbers<[1], [0], [0], [1], [0, 0, 1, 1], [], []>, transpose_lhs_hint = false} : vector<1x64xbf16>, vector<64x64xbf16>, vector<1x64xf32> -> vector<1x64xf32>
    %slice3A_444 = vector.extract_strided_slice %scan3A_266#6 {offsets = [2, 0, 0], sizes = [1, 64, 256], strides = [1, 1, 1]} : vector<4x64x256xf32> to vector<1x64x256xf32>
    %squeeze3A_445 = vector.shape_cast %slice3A_444 : vector<1x64x256xf32> to vector<64x256xf32>
    %slice3A_446 = vector.extract_strided_slice %squeeze3A_445 {offsets = [0, 64], sizes = [64, 64], strides = [1, 1]} : vector<64x256xf32> to vector<64x64xf32>
    %convert_element_type3A_447 = arith.truncf %slice3A_446 : vector<64x64xf32> to vector<64x64xbf16>
    %slice3A_448 = vector.extract_strided_slice %concatenate3A_395 {offsets = [6, 0], sizes = [1, 64], strides = [1, 1]} : vector<16x64xf32> to vector<1x64xf32>
    %convert_element_type3A_449 = arith.truncf %slice3A_448 : vector<1x64xf32> to vector<1x64xbf16>
    %dot_general3A_450 = arith.constant dense<0.000000e+00> : vector<1x64xf32>
    %dot_general3A_451 = tpu.matmul %convert_element_type3A_449, %convert_element_type3A_447, %dot_general3A_450 {dimension_numbers = #tpu.dot_dimension_numbers<[1], [0], [0], [1], [0, 0, 1, 1], [], []>, transpose_lhs_hint = false} : vector<1x64xbf16>, vector<64x64xbf16>, vector<1x64xf32> -> vector<1x64xf32>
    %slice3A_452 = vector.extract_strided_slice %scan3A_266#6 {offsets = [3, 0, 0], sizes = [1, 64, 256], strides = [1, 1, 1]} : vector<4x64x256xf32> to vector<1x64x256xf32>
    %squeeze3A_453 = vector.shape_cast %slice3A_452 : vector<1x64x256xf32> to vector<64x256xf32>
    %slice3A_454 = vector.extract_strided_slice %squeeze3A_453 {offsets = [0, 64], sizes = [64, 64], strides = [1, 1]} : vector<64x256xf32> to vector<64x64xf32>
    %convert_element_type3A_455 = arith.truncf %slice3A_454 : vector<64x64xf32> to vector<64x64xbf16>
    %slice3A_456 = vector.extract_strided_slice %concatenate3A_395 {offsets = [7, 0], sizes = [1, 64], strides = [1, 1]} : vector<16x64xf32> to vector<1x64xf32>
    %convert_element_type3A_457 = arith.truncf %slice3A_456 : vector<1x64xf32> to vector<1x64xbf16>
    %dot_general3A_458 = arith.constant dense<0.000000e+00> : vector<1x64xf32>
    %dot_general3A_459 = tpu.matmul %convert_element_type3A_457, %convert_element_type3A_455, %dot_general3A_458 {dimension_numbers = #tpu.dot_dimension_numbers<[1], [0], [0], [1], [0, 0, 1, 1], [], []>, transpose_lhs_hint = false} : vector<1x64xbf16>, vector<64x64xbf16>, vector<1x64xf32> -> vector<1x64xf32>
    %slice3A_460 = vector.extract_strided_slice %scan3A_266#6 {offsets = [0, 0, 0], sizes = [1, 64, 256], strides = [1, 1, 1]} : vector<4x64x256xf32> to vector<1x64x256xf32>
    %squeeze3A_461 = vector.shape_cast %slice3A_460 : vector<1x64x256xf32> to vector<64x256xf32>
    %slice3A_462 = vector.extract_strided_slice %squeeze3A_461 {offsets = [0, 128], sizes = [64, 64], strides = [1, 1]} : vector<64x256xf32> to vector<64x64xf32>
    %convert_element_type3A_463 = arith.truncf %slice3A_462 : vector<64x64xf32> to vector<64x64xbf16>
    %slice3A_464 = vector.extract_strided_slice %concatenate3A_395 {offsets = [8, 0], sizes = [1, 64], strides = [1, 1]} : vector<16x64xf32> to vector<1x64xf32>
    %convert_element_type3A_465 = arith.truncf %slice3A_464 : vector<1x64xf32> to vector<1x64xbf16>
    %dot_general3A_466 = arith.constant dense<0.000000e+00> : vector<1x64xf32>
    %dot_general3A_467 = tpu.matmul %convert_element_type3A_465, %convert_element_type3A_463, %dot_general3A_466 {dimension_numbers = #tpu.dot_dimension_numbers<[1], [0], [0], [1], [0, 0, 1, 1], [], []>, transpose_lhs_hint = false} : vector<1x64xbf16>, vector<64x64xbf16>, vector<1x64xf32> -> vector<1x64xf32>
    %slice3A_468 = vector.extract_strided_slice %scan3A_266#6 {offsets = [1, 0, 0], sizes = [1, 64, 256], strides = [1, 1, 1]} : vector<4x64x256xf32> to vector<1x64x256xf32>
    %squeeze3A_469 = vector.shape_cast %slice3A_468 : vector<1x64x256xf32> to vector<64x256xf32>
    %slice3A_470 = vector.extract_strided_slice %squeeze3A_469 {offsets = [0, 128], sizes = [64, 64], strides = [1, 1]} : vector<64x256xf32> to vector<64x64xf32>
    %convert_element_type3A_471 = arith.truncf %slice3A_470 : vector<64x64xf32> to vector<64x64xbf16>
    %slice3A_472 = vector.extract_strided_slice %concatenate3A_395 {offsets = [9, 0], sizes = [1, 64], strides = [1, 1]} : vector<16x64xf32> to vector<1x64xf32>
    %convert_element_type3A_473 = arith.truncf %slice3A_472 : vector<1x64xf32> to vector<1x64xbf16>
    %dot_general3A_474 = arith.constant dense<0.000000e+00> : vector<1x64xf32>
    %dot_general3A_475 = tpu.matmul %convert_element_type3A_473, %convert_element_type3A_471, %dot_general3A_474 {dimension_numbers = #tpu.dot_dimension_numbers<[1], [0], [0], [1], [0, 0, 1, 1], [], []>, transpose_lhs_hint = false} : vector<1x64xbf16>, vector<64x64xbf16>, vector<1x64xf32> -> vector<1x64xf32>
    %slice3A_476 = vector.extract_strided_slice %scan3A_266#6 {offsets = [2, 0, 0], sizes = [1, 64, 256], strides = [1, 1, 1]} : vector<4x64x256xf32> to vector<1x64x256xf32>
    %squeeze3A_477 = vector.shape_cast %slice3A_476 : vector<1x64x256xf32> to vector<64x256xf32>
    %slice3A_478 = vector.extract_strided_slice %squeeze3A_477 {offsets = [0, 128], sizes = [64, 64], strides = [1, 1]} : vector<64x256xf32> to vector<64x64xf32>
    %convert_element_type3A_479 = arith.truncf %slice3A_478 : vector<64x64xf32> to vector<64x64xbf16>
    %slice3A_480 = vector.extract_strided_slice %concatenate3A_395 {offsets = [10, 0], sizes = [1, 64], strides = [1, 1]} : vector<16x64xf32> to vector<1x64xf32>
    %convert_element_type3A_481 = arith.truncf %slice3A_480 : vector<1x64xf32> to vector<1x64xbf16>
    %dot_general3A_482 = arith.constant dense<0.000000e+00> : vector<1x64xf32>
    %dot_general3A_483 = tpu.matmul %convert_element_type3A_481, %convert_element_type3A_479, %dot_general3A_482 {dimension_numbers = #tpu.dot_dimension_numbers<[1], [0], [0], [1], [0, 0, 1, 1], [], []>, transpose_lhs_hint = false} : vector<1x64xbf16>, vector<64x64xbf16>, vector<1x64xf32> -> vector<1x64xf32>
    %slice3A_484 = vector.extract_strided_slice %scan3A_266#6 {offsets = [3, 0, 0], sizes = [1, 64, 256], strides = [1, 1, 1]} : vector<4x64x256xf32> to vector<1x64x256xf32>
    %squeeze3A_485 = vector.shape_cast %slice3A_484 : vector<1x64x256xf32> to vector<64x256xf32>
    %slice3A_486 = vector.extract_strided_slice %squeeze3A_485 {offsets = [0, 128], sizes = [64, 64], strides = [1, 1]} : vector<64x256xf32> to vector<64x64xf32>
    %convert_element_type3A_487 = arith.truncf %slice3A_486 : vector<64x64xf32> to vector<64x64xbf16>
    %slice3A_488 = vector.extract_strided_slice %concatenate3A_395 {offsets = [11, 0], sizes = [1, 64], strides = [1, 1]} : vector<16x64xf32> to vector<1x64xf32>
    %convert_element_type3A_489 = arith.truncf %slice3A_488 : vector<1x64xf32> to vector<1x64xbf16>
    %dot_general3A_490 = arith.constant dense<0.000000e+00> : vector<1x64xf32>
    %dot_general3A_491 = tpu.matmul %convert_element_type3A_489, %convert_element_type3A_487, %dot_general3A_490 {dimension_numbers = #tpu.dot_dimension_numbers<[1], [0], [0], [1], [0, 0, 1, 1], [], []>, transpose_lhs_hint = false} : vector<1x64xbf16>, vector<64x64xbf16>, vector<1x64xf32> -> vector<1x64xf32>
    %slice3A_492 = vector.extract_strided_slice %scan3A_266#6 {offsets = [0, 0, 0], sizes = [1, 64, 256], strides = [1, 1, 1]} : vector<4x64x256xf32> to vector<1x64x256xf32>
    %squeeze3A_493 = vector.shape_cast %slice3A_492 : vector<1x64x256xf32> to vector<64x256xf32>
    %slice3A_494 = vector.extract_strided_slice %squeeze3A_493 {offsets = [0, 192], sizes = [64, 64], strides = [1, 1]} : vector<64x256xf32> to vector<64x64xf32>
    %convert_element_type3A_495 = arith.truncf %slice3A_494 : vector<64x64xf32> to vector<64x64xbf16>
    %slice3A_496 = vector.extract_strided_slice %concatenate3A_395 {offsets = [12, 0], sizes = [1, 64], strides = [1, 1]} : vector<16x64xf32> to vector<1x64xf32>
    %convert_element_type3A_497 = arith.truncf %slice3A_496 : vector<1x64xf32> to vector<1x64xbf16>
    %dot_general3A_498 = arith.constant dense<0.000000e+00> : vector<1x64xf32>
    %dot_general3A_499 = tpu.matmul %convert_element_type3A_497, %convert_element_type3A_495, %dot_general3A_498 {dimension_numbers = #tpu.dot_dimension_numbers<[1], [0], [0], [1], [0, 0, 1, 1], [], []>, transpose_lhs_hint = false} : vector<1x64xbf16>, vector<64x64xbf16>, vector<1x64xf32> -> vector<1x64xf32>
    %slice3A_500 = vector.extract_strided_slice %scan3A_266#6 {offsets = [1, 0, 0], sizes = [1, 64, 256], strides = [1, 1, 1]} : vector<4x64x256xf32> to vector<1x64x256xf32>
    %squeeze3A_501 = vector.shape_cast %slice3A_500 : vector<1x64x256xf32> to vector<64x256xf32>
    %slice3A_502 = vector.extract_strided_slice %squeeze3A_501 {offsets = [0, 192], sizes = [64, 64], strides = [1, 1]} : vector<64x256xf32> to vector<64x64xf32>
    %convert_element_type3A_503 = arith.truncf %slice3A_502 : vector<64x64xf32> to vector<64x64xbf16>
    %slice3A_504 = vector.extract_strided_slice %concatenate3A_395 {offsets = [13, 0], sizes = [1, 64], strides = [1, 1]} : vector<16x64xf32> to vector<1x64xf32>
    %convert_element_type3A_505 = arith.truncf %slice3A_504 : vector<1x64xf32> to vector<1x64xbf16>
    %dot_general3A_506 = arith.constant dense<0.000000e+00> : vector<1x64xf32>
    %dot_general3A_507 = tpu.matmul %convert_element_type3A_505, %convert_element_type3A_503, %dot_general3A_506 {dimension_numbers = #tpu.dot_dimension_numbers<[1], [0], [0], [1], [0, 0, 1, 1], [], []>, transpose_lhs_hint = false} : vector<1x64xbf16>, vector<64x64xbf16>, vector<1x64xf32> -> vector<1x64xf32>
    %slice3A_508 = vector.extract_strided_slice %scan3A_266#6 {offsets = [2, 0, 0], sizes = [1, 64, 256], strides = [1, 1, 1]} : vector<4x64x256xf32> to vector<1x64x256xf32>
    %squeeze3A_509 = vector.shape_cast %slice3A_508 : vector<1x64x256xf32> to vector<64x256xf32>
    %slice3A_510 = vector.extract_strided_slice %squeeze3A_509 {offsets = [0, 192], sizes = [64, 64], strides = [1, 1]} : vector<64x256xf32> to vector<64x64xf32>
    %convert_element_type3A_511 = arith.truncf %slice3A_510 : vector<64x64xf32> to vector<64x64xbf16>
    %slice3A_512 = vector.extract_strided_slice %concatenate3A_395 {offsets = [14, 0], sizes = [1, 64], strides = [1, 1]} : vector<16x64xf32> to vector<1x64xf32>
    %convert_element_type3A_513 = arith.truncf %slice3A_512 : vector<1x64xf32> to vector<1x64xbf16>
    %dot_general3A_514 = arith.constant dense<0.000000e+00> : vector<1x64xf32>
    %dot_general3A_515 = tpu.matmul %convert_element_type3A_513, %convert_element_type3A_511, %dot_general3A_514 {dimension_numbers = #tpu.dot_dimension_numbers<[1], [0], [0], [1], [0, 0, 1, 1], [], []>, transpose_lhs_hint = false} : vector<1x64xbf16>, vector<64x64xbf16>, vector<1x64xf32> -> vector<1x64xf32>
    %slice3A_516 = vector.extract_strided_slice %scan3A_266#6 {offsets = [3, 0, 0], sizes = [1, 64, 256], strides = [1, 1, 1]} : vector<4x64x256xf32> to vector<1x64x256xf32>
    %squeeze3A_517 = vector.shape_cast %slice3A_516 : vector<1x64x256xf32> to vector<64x256xf32>
    %slice3A_518 = vector.extract_strided_slice %squeeze3A_517 {offsets = [0, 192], sizes = [64, 64], strides = [1, 1]} : vector<64x256xf32> to vector<64x64xf32>
    %convert_element_type3A_519 = arith.truncf %slice3A_518 : vector<64x64xf32> to vector<64x64xbf16>
    %slice3A_520 = vector.extract_strided_slice %concatenate3A_395 {offsets = [15, 0], sizes = [1, 64], strides = [1, 1]} : vector<16x64xf32> to vector<1x64xf32>
    %convert_element_type3A_521 = arith.truncf %slice3A_520 : vector<1x64xf32> to vector<1x64xbf16>
    %dot_general3A_522 = arith.constant dense<0.000000e+00> : vector<1x64xf32>
    %dot_general3A_523 = tpu.matmul %convert_element_type3A_521, %convert_element_type3A_519, %dot_general3A_522 {dimension_numbers = #tpu.dot_dimension_numbers<[1], [0], [0], [1], [0, 0, 1, 1], [], []>, transpose_lhs_hint = false} : vector<1x64xbf16>, vector<64x64xbf16>, vector<1x64xf32> -> vector<1x64xf32>
    %concatenate3A_524 = tpu.concatenate %dot_general3A_403, %dot_general3A_411, %dot_general3A_419, %dot_general3A_427, %dot_general3A_435, %dot_general3A_443, %dot_general3A_451, %dot_general3A_459, %dot_general3A_467, %dot_general3A_475, %dot_general3A_483, %dot_general3A_491, %dot_general3A_499, %dot_general3A_507, %dot_general3A_515, %dot_general3A_523 in 0 : vector<1x64xf32>, vector<1x64xf32>, vector<1x64xf32>, vector<1x64xf32>, vector<1x64xf32>, vector<1x64xf32>, vector<1x64xf32>, vector<1x64xf32>, vector<1x64xf32>, vector<1x64xf32>, vector<1x64xf32>, vector<1x64xf32>, vector<1x64xf32>, vector<1x64xf32>, vector<1x64xf32>, vector<1x64xf32> -> vector<16x64xf32>
    %squeeze3A_525 = vector.shape_cast %scan3A_266#1 : vector<16x1xf32> to vector<16xf32>
    %squeeze3A_526 = vector.shape_cast %scan3A_266#5 : vector<16x1xf32> to vector<16xf32>
    %add3A_527 = arith.addf %squeeze3A_525, %squeeze3A_526 : vector<16xf32>
    %squeeze3A_528 = vector.shape_cast %scan3A_266#7 : vector<16x1xf32> to vector<16xf32>
    %add3A_529 = arith.addf %add3A_527, %squeeze3A_528 : vector<16xf32>
    %squeeze3A_530 = vector.shape_cast %scan3A_266#3 : vector<16x1xf32> to vector<16xf32>
    %add3A_531 = arith.addf %add3A_529, %squeeze3A_530 : vector<16xf32>
    %mul3A_532 = arith.mulf %concatenate3A_524, %scan3A_266#2 : vector<16x64xf32>
    %reduce_sum3A_533 = arith.constant dense<0.000000e+00> : vector<16xf32>
    %reduce_sum3A_534 = vector.multi_reduction <add>, %mul3A_532, %reduce_sum3A_533 [1] : vector<16x64xf32> to vector<16xf32>
    %log3A = math.log %reduce_sum3A_534 : vector<16xf32>
    %add3A_535 = arith.addf %add3A_531, %log3A : vector<16xf32>
    %broadcast_in_dim3A_536 = vector.shape_cast %add3A_535 : vector<16xf32> to vector<16x1xf32>
    %broadcast_in_dim3A_537 = vector.shape_cast %broadcast_in_dim3A_536 : vector<16x1xf32> to vector<16x1xf32>
    %broadcast_in_dim3A_538 = vector.broadcast %broadcast_in_dim3A_537 : vector<16x1xf32> to vector<16x128xf32>
    %swap3A_539 = arith.constant 0 : index
    %swap3A_540 = arith.constant 0 : index
    %swap3A_541 = vector.load %arg6[%swap3A_539, %swap3A_540] : memref<16x128xf32, #tpu.memory_space<vmem>>, vector<16x128xf32>
    tpu.vector_store %arg6[%swap3A_539, %swap3A_540], %broadcast_in_dim3A_538 {strides = array<i32>} : memref<16x128xf32, #tpu.memory_space<vmem>>, vector<16x128xf32>,
    return
  }
}

</mosaic_0001>

<sc_bundles>
// kernel: kernel.4.cloned.1.call-start
scs
__scs_entry_jumppad:
0x0: {  	(pc) =	sbr.rel $0x88, $3  }
0x1: {  	(tag) =	ssettag $0x0;
	lr =	simm.s32 $0x1  }
0x2: {  	[smem:$0x3F9B] =	sst lr;
	_ =	strace $0xD0000000  }
0x3: {  	_ = 	snop  }
0x4: {  	_ = 	snop  }
0x5: {  	_ = 	snop  }
0x6: {  	_ = 	snop  }
0x7: {  	_ = 	snop  }
__scs_overlays_trampoline_lowered:
0x8: {  	[smem:$0x3FAA] =	sst s0  }
0x9: {  	[smem:$0x3FAB] =	sst s1  }
0xa: {  	[smem:$0x3FAC] =	sst s2  }
0xb: {  	[smem:$0x3FAD] =	sst s3  }
0xc: {  	[smem:$0x3FAE] =	sst s4  }
0xd: {  	[smem:$0x3FAF] =	sst s5  }
0xe: {  	[smem:$0x3FB0] =	sst s6  }
0xf: {  	[smem:$0x3FB1] =	sst s7  }
0x10: {  	[smem:$0x3FB2] =	sst s8  }
0x11: {  	[smem:$0x3FB3] =	sst s9;
	s0 =	simm.s32 @!p0 $0x0  }
0x12: {  	s1 =	sld [smem:$0x3F99];
	s0 =	simm.s32 @p0 $0x1  }
0x13: {  	[smem:$0x3FB4] =	sst s0;
	s0 =	simm.s32 @!p1 $0x0  }
0x14: {  	s2 =	sld [smem:$0x3F98];
	s0 =	simm.s32 @p1 $0x1  }
0x15: {  	[smem:$0x3FB5] =	sst s0;
	s0 =	simm.s32 @!p2 $0x0  }
0x16: {  	s3 =	sld [smem:$0x3FDB];
	s0 =	simm.s32 @p2 $0x1  }
0x17: {  	s4 =	simm.s32 $0x1BF5;
	[smem:$0x3FB7] =	sst s0  }
0x18: {  	s0 =	sld [smem:$0x3F9A];
	_ =	swait.ge [sflag:s4], $0x0  }
0x19: {  	s7 =	sld [smem:$0x3F9B]  }
0x1a: {  	s8 =	sadd.s32 $0xFFFFE003, lr  }
0x1b: {  	s9 =	sadd.s32 $0xFFFFFEF7, lr;
	s5 =	simm.s32 $0xFFFFFFFF;
	p2 =	slt.u32 s8, $0xFFFFF086  }
0x1c: {  	p1 =	slt.u32 s9, $0xF7A;
	s5 =	simm.s32 @!p2 $0x0  }
0x1d: {  	s5 =	simm.s32 @p1 $0x1;
	p0 =	seq.s32 s7, s2  }
0x1e: {  	s7 =	smul.u32 @!p0 $0xF7A, s2;
	p2 =	seq.s32 @!p0 s5, $0x0  }
0x1f: {  	s9 =	smul.u32 $0xF7A, s1;
	s8 =	simm.s32 @!p0 $0x1BF5;
	p2 =	por !p2, p0  }
0x20: {  	[sflag:s8] =	ssyncset.s32 @!p0 $0xFFFFF086;
	s6 =	sadd.s32 @!p0 s3, s7;
	s7 =	simm.s32 @!p0 $0x108  }
0x21: {  	s3 =	sadd.s32 s3, s9;
	s6 =	sadd.s32 @!p0 $0x88, s6;
	s7 =	simm.s32 @p2 $0x1082  }
0x22: {  	[simem:s7], [sflag:s8] =	dma.local @!p0 [hbm:s6], $0xF7A  }
0x23: {  	s9 =	sor.u32 $0xD0000000, s2;
	s6 =	simm.s32 $0x108;
	_ =	swait.ge @!p0 [sflag:s8], $0x0  }
0x24: {  	s3 =	sadd.s32 $0x88, s3;
	s6 =	simm.s32 @!p1 $0x1082;
	[sflag:s4] =	ssyncset.s32 $0xFFFFF086  }
0x25: {  	[simem:s6], [sflag:s4] =	dma.local [hbm:s3], $0xF7A  }
0x26: {  	[smem:$0x3F9B] =	sst s1;
	(tag) =	ssettag s2;
	_ =	strace s9  }
0x27: {  	s1 =	sld [smem:$0x3FAB]  }
0x28: {  	s2 =	sld [smem:$0x3FAC]  }
0x29: {  	s4 =	sld [smem:$0x3FAE]  }
0x2a: {  	p0 =	seq.s32 s5, $0x0;
	s5 =	sld [smem:$0x3FAF]  }
0x2b: {  	s6 =	sld [smem:$0x3FB0]  }
0x2c: {  	s7 =	sld [smem:$0x3FB1]  }
0x2d: {  	s3 =	simm.s32 $0x108;
	s8 =	sld [smem:$0x3FB2]  }
0x2e: {  	s3 =	simm.s32 @!p0 $0x1082;
	s9 =	sld [smem:$0x3FB3]  }
0x2f: {  	lr =	sadd.s32 s0, s3;
	s0 =	sld [smem:$0x3FAA]  }
0x30: {  	s3 =	sld [smem:$0x3FAD]  }
0x31: {  	[smem:$0x3FB6] =	sst s10  }
0x32: {  	s10 =	sld [smem:$0x3FB4];
	_ =	sdelay $0x3  }
0x33: {  	p0 =	seq.s32 s10, $0x1;
	s10 =	sld [smem:$0x3FB6];
	_ =	sdelay $0x3  }
0x34: {  	[smem:$0x3FB6] =	sst s10  }
0x35: {  	s10 =	sld [smem:$0x3FB5];
	_ =	sdelay $0x3  }
0x36: {  	p1 =	seq.s32 s10, $0x1;
	s10 =	sld [smem:$0x3FB6];
	_ =	sdelay $0x3  }
0x37: {  	[smem:$0x3FB6] =	sst s10  }
0x38: {  	s10 =	sld [smem:$0x3FB7]  }
0x39: {  	_ = 	snop;
	(pc) =	sbr.ind lr, $3  }
0x3a: {  	_ = 	snop  }
0x3b: {  	_ = 	snop  }
0x3c: {  	p2 =	seq.s32 s10, $0x1;
	s10 =	sld [smem:$0x3FB6]  }
0x3d: {  	_ =	shalt  }
0x3e: {  	_ =	shalt  }
0x3f: {  	_ =	shalt  }
0x40: {  	_ =	shalt  }
0x41: {  	_ =	shalt  }
0x42: {  	_ =	shalt  }
0x43: {  	_ =	shalt  }
0x44: {  	_ =	shalt  }
0x45: {  	_ =	shalt  }
0x46: {  	_ =	shalt  }
0x47: {  	_ =	shalt  }
0x48: {  	_ =	shalt  }
0x49: {  	_ =	shalt  }
0x4a: {  	_ =	shalt  }
0x4b: {  	_ =	shalt  }
0x4c: {  	_ =	shalt  }
0x4d: {  	_ =	shalt  }
0x4e: {  	_ =	shalt  }
0x4f: {  	_ =	shalt  }
0x50: {  	_ =	shalt  }
0x51: {  	_ =	shalt  }
0x52: {  	_ =	shalt  }
0x53: {  	_ =	shalt  }
0x54: {  	_ =	shalt  }
0x55: {  	_ =	shalt  }
0x56: {  	_ =	shalt  }
0x57: {  	_ =	shalt  }
0x58: {  	_ =	shalt  }
0x59: {  	_ =	shalt  }
0x5a: {  	_ =	shalt  }
0x5b: {  	_ =	shalt  }
0x5c: {  	_ =	shalt  }
0x5d: {  	_ =	shalt  }
0x5e: {  	_ =	shalt  }
0x5f: {  	_ =	shalt  }
0x60: {  	_ =	shalt  }
0x61: {  	_ =	shalt  }
0x62: {  	_ =	shalt  }
0x63: {  	_ =	shalt  }
0x64: {  	_ =	shalt  }
0x65: {  	_ =	shalt  }
0x66: {  	_ =	shalt  }
0x67: {  	_ =	shalt  }
0x68: {  	_ =	shalt  }
0x69: {  	_ =	shalt  }
0x6a: {  	_ =	shalt  }
0x6b: {  	_ =	shalt  }
0x6c: {  	_ =	shalt  }
0x6d: {  	_ =	shalt  }
0x6e: {  	_ =	shalt  }
0x6f: {  	_ =	shalt  }
0x70: {  	_ =	shalt  }
0x71: {  	_ =	shalt  }
0x72: {  	_ =	shalt  }
0x73: {  	_ =	shalt  }
0x74: {  	_ =	shalt  }
0x75: {  	_ =	shalt  }
0x76: {  	_ =	shalt  }
0x77: {  	_ =	shalt  }
0x78: {  	_ =	shalt  }
0x79: {  	_ =	shalt  }
0x7a: {  	_ =	shalt  }
0x7b: {  	_ =	shalt  }
0x7c: {  	_ =	shalt  }
0x7d: {  	_ =	shalt  }
0x7e: {  	_ =	shalt  }
0x7f: {  	_ =	shalt  }
0x80: {  	_ =	shalt  }
0x81: {  	_ =	shalt  }
0x82: {  	_ =	shalt  }
0x83: {  	_ =	shalt  }
0x84: {  	_ =	shalt  }
0x85: {  	_ =	shalt  }
0x86: {  	_ =	shalt  }
0x87: {  	_ =	shalt  }
.Lfunc_end0:
.L_simem_size_0:
called_computation_lowered:
.L_overlay_start_0:
0x88: {  	s2 =	sld [smem:$0x3FD9]  }
0x89: {  	s3 =	sld [smem:$0x3FFE];
	_ =	sdelay $0x1  }
0x8a: {  	s1 =	srdreg.scid  }
0x8b: {  	s0 =	sand.u32 $0x1, s1  }
0x8c: {  	s17 =	sshll.u32 s0, $0xA;
	s2 =	sadd.s32 s3, s2  }
0x8d: {  	s2 =	sadd.s32 s2, s17  }
0x8e: {  	[smem:$0x3FC2] =	sst s2  }
0x8f: {  	_ = 	snop  }
0x90: {  	s2 =	sld [smem:$0x3FC8]  }
0x91: {  	s18 =	sld [smem:$0x3FC7]  }
0x92: {  	s4 =	sld [smem:$0x3FC6]  }
0x93: {  	s5 =	sld [smem:$0x3FC5]  }
0x94: {  	s6 =	sld [smem:$0x3FC4];
	(tm) =	ssettm $0x1  }
0x95: {  	s7 =	sld [smem:$0x3FFB];
	_ =	sdelay $0x3  }
0x96: {  	_ =	strace s7  }
0x97: {  	s7 =	sld [smem:$0x3FFC];
	_ =	sdelay $0x3  }
0x98: {  	_ =	strace s7  }
0x99: {  	s7 =	sld [smem:$0x3FFD];
	_ =	sdelay $0x3  }
0x9a: {  	_ =	strace s7  }
0x9b: {  	_ =	strace $0x8FFFFFFF  }
0x9c: {  	s19 =	sld [smem:$0x3FDB];
	_ =	sdelay $0x1  }
0x9d: {  	s8 =	simm.s32 $_scs_section_size  }
0x9e: {  	s9 =	simm.s32 $_size__tile_overlayer_lowered;
	s10 =	simm.s32 $_tile_overlayer_lowered  }
0x9f: {  	s22 =	simm.s32 $0x1BFF;
	s21 =	sshll.u32 s10, $0x1;
	s7 =	sadd.s32 s8, s19  }
0xa0: {  	s11 =	simm.s32 $0x0;
	s20 =	sshll.u32 s9, $0x1;
	s9 =	sadd.s32 s21, s7  }
0xa1: {  	[timem:s11], [sflag:s22] =	dma.local [hbm:s9], s20  }
0xa2: {  	_ =	swait.ge [sflag:s22], s20  }
0xa3: {  	s8 =	ssub.s32 $0x0, s20;
	[sflag:s22] =	ssyncset.done $0x0  }
0xa4: {  	[sflag:s22] =	ssyncadd.s32 s8;
	_ =	sdelay $0x1  }
0xa5: {  	s23 =	simm.s32 $0x1B8B  }
0xa6: {  	_ =	swait.ge [sflag:s23], $0x1  }
0xa7: {  	[sflag:s23] =	ssyncset.done $0x0  }
0xa8: {  	s25 =	simm.s32 $0x1B8E;
	s24 =	sld [smem:$0x3FFE];
	[sflag:s23] =	ssyncadd.s32 $0xFFFFFFFF  }
0xa9: {  	s26 =	simm.s32 $execute0_lowered;
	[smem:$0x3FD2] =	sst s25  }
0xaa: {  	s9 =	sshll.u32 s26, $0x1;
	_ =	strace $0x80000046;
	[dreg:$0x1] =	wrdreg $0xFFFFFFFF  }
0xab: {  	s28 =	simm.s32 $_size_execute0_lowered;
	s7 =	sadd.s32 s7, s9;
	[dreg:$0x0] =	wrdreg $0x0  }
0xac: {  	s9 =	sshll.u32 s28, $0x1;
	[dreg:$0x2] =	wrdreg s7  }
0xad: {  	[dreg:$0x3] =	wrdreg s9  }
0xae: {  	[dreg:$0x4] =	wrdreg $0xC0  }
0xaf: {  	_ =	task [dreg:s11], $0x5FFFF  }
0xb0: {  	[dreg:$0x1] =	wrdreg $0xFFFFFFFF  }
0xb1: {  	[dreg:$0x0] =	wrdreg $0x60  }
0xb2: {  	[dreg:$0x2] =	wrdreg s24  }
0xb3: {  	[dreg:$0x3] =	wrdreg s2  }
0xb4: {  	[dreg:$0x4] =	wrdreg s18  }
0xb5: {  	[dreg:$0x5] =	wrdreg s4  }
0xb6: {  	[dreg:$0x6] =	wrdreg s5  }
0xb7: {  	[dreg:$0x7] =	wrdreg s6  }
0xb8: {  	[dreg:$0x8] =	wrdreg $0x9  }
0xb9: {  	_ =	task.clear_ibuf [dreg:s11], $0x9FFFF;
	_ =	strace $0x90000046  }
0xba: {  	s29 =	simm.s32 $0x9;
	_ =	strace $0x80000048  }
0xbb: {  	_ =	swait.ge [sflag:s29], $0x1  }
0xbc: {  	[sflag:s29] =	ssyncadd.s32 $0xFFFFFFFF  }
0xbd: {  	_ =	strace $0x90000048  }
0xbe: {  	_ =	sfence  }
0xbf: {  	s30 =	sld [smem:$0x0];
	_ =	sdelay $0x2  }
0xc0: {  	s31 =	sshll.u32 s1, $0xD;
	s1 =	sshrl.u32 s1, $0x2  }
0xc1: {  	s3 =	sand.u32 $0x4000, s31;
	s1 =	sadd.s32 s1, s30  }
0xc2: {  	s0 =	sor.u32 s3, s0;
	s1 =	sshll.u32 s1, $0x11  }
0xc3: {  	s0 =	sor.u32 s1, s0  }
0xc4: {  	s0 =	sadd.s32 $0x8F2B, s0  }
0xc5: {  	[sflag:s0] =	ssyncadd.remote.s32 $0x1  }
0xc6: {  	_ =	sfence.sel $0xFFFF  }
0xc7: {  	[dreg:$0x0] =	wrdreg $0xFFFFFFFF;
	(pc) =	sbr.abs _section_cstart, $3  }
0xc8: {  	[dreg:$0x1] =	wrdreg $0xFFFFFFFF  }
0xc9: {  	_ =	task.clear_ibuf [dreg:s11], $0x2FFFF;
	_ =	strace $0x9FFFFFFF  }
0xca: {  	(tm) =	ssettm $0x7FFFFFFF  }
0xcb: {  	_ =	shalt  }
tec
execute0_lowered:
.L_overlay_start_1:
0x0: {  	(tag) =	ssettag $0x1  }
0x1: {  	s7 =	rddreg [dreg:$0x0]  }
0x2: {  	s1 =	rddreg [dreg:$0x1]  }
0x3: {  	s2 =	rddreg [dreg:$0x2]  }
0x4: {  	s3 =	rddreg [dreg:$0x3]  }
0x5: {  	s8 =	rddreg [dreg:$0x4]  }
0x6: {  	s4 =	rddreg [dreg:$0x5]  }
0x7: {  	s0 =	rddreg [dreg:$0x6];
	s5 =	simm.s32 $0x0  }
0x8: {  	s6 =	srdreg.scid;
	s16 =	simm.s32 $0xA280;
	s17 =	simm.s32 $0xA300  }
0x9: {  	s18 =	simm.s32 $0x1;
	s20 =	simm.s32 $0x2;
	[smem:$0x7FF] =	sst s5  }
0xa: {  	s21 =	simm.s32 $0x0;
	s10 =	sand.u32 $0x1, s6;
	_ =	strace $0x80000047  }
0xb: {  	s6 =	sshll.u32 s10, $0x4;
	s9 =	ssub.s32 $0x2, s10;
	s19 =	sshll.u32 s10, $0x8  }
0xc: {  	v5 =	vlaneseq.u32;
	s29 =	sshll.u32 s10, $0xC;
	s11 =	sadd.s32 s6, s7;
	s6 =	stileid.u32  }
0xd: {  	s12 =	sshrl.u32 s9, $0x1;
	s7 =	sadd.s32 s7, s29;
	v3 =	vor.u32 s19, v5;
	s19 =	simm.s32 $0xA380  }
0xe: {  	s12 =	ssub.s32 s9, s12;
	s13 =	sshll.u32 s6, $0xD;
	s30 =	sshll.u32 s6, $0x4  }
0xf: {  	s14 =	sshll.u32 s6, $0x6;
	s15 =	sshll.u32 s6, $0x5;
	s9 =	sand.u32 $0x70, s30  }
0x10: {  	v0 =	vmov s10;
	s14 =	sand.u32 $0x200, s14;
	s31 =	sadd.s32 s15, s11;
	s7 =	sadd.s32 s13, s7  }
0x11: {  	vm0 =	vmmov $0x1;
	vm1 =	veq.s32 v0, $0x0;
	s10 =	smax.u32 s12, $0x1;
	s11 =	simm.s32 $0x80;
	s12 =	simm.s32 $0x400  }
0x12: {  	v2 =	vimm.s32 $0x0;
	vm1 =	vmand vm1, vm0;
	s13 =	simm.s32 $0x8000;
	s15 =	simm.s32 $0xA200;
	s8 =	sadd.s32 s8, s9  }
0x13: {  	v5 =	vmul.u32 $0x80, v5;
	v1 =	vmov s6;
	v4 =	vsel vm1, $0x3F800000, v2;
	s9 =	sadd.s32 $0x20000, s31;
	s8 =	sadd.s32 s14, s8;
	s14 =	simm.s32 $0x8200  }
.LBB2_1:
0x14: {  	[tilespmem:s5], [sflag:$0x1] =	stream.linear.gather [hbm4b:s7+s5], $0x8000, $0x38;
	[tilespmem:$0xA400] =	vst v63  }
0x15: {  	_ = 	snop  }
0x16: {  	[tilespmem:s13], [sflag:$0x1] =	stream.strided.gather [hbm4b:s8+s11], $0x200, s12, s11, $0x38;
	[tilespmem:$0xA400] =	vst v63  }
0x17: {  	_ = 	snop  }
0x18: {  	[tilespmem:s14], [sflag:$0x1] =	stream.linear.gather [hbm4b:s1+s5], $0x2000, $0x38;
	[tilespmem:$0xA400] =	vst v63  }
0x19: {  	_ = 	snop  }
0x1a: {  	[tilespmem:s15], [sflag:$0x1] =	stream.linear.gather [hbm4b:s2+s5], $0x80, $0x38;
	[tilespmem:$0xA400] =	vst v63  }
0x1b: {  	_ = 	snop  }
0x1c: {  	[tilespmem:s16], [sflag:$0x1] =	stream.linear.gather [hbm4b:s3+s5], $0x80, $0x38;
	[tilespmem:$0xA400] =	vst v63  }
0x1d: {  	_ = 	snop  }
0x1e: {  	[tilespmem:s17], [sflag:$0x1] =	stream.linear.gather [hbm4b:s4+s5], $0x80, $0x38;
	[tilespmem:$0xA400] =	vst v63  }
0x1f: {  	_ =	swait.ge [sflag:s18], $0x8000  }
0x20: {  	[sflag:s18] =	ssyncset.done $0x0  }
0x21: {  	[sflag:s18] =	ssyncadd.s32 $0xFFFF8000  }
0x22: {  	_ =	swait.ge [sflag:s18], $0x200  }
0x23: {  	[sflag:s18] =	ssyncset.done $0x0  }
0x24: {  	[sflag:s18] =	ssyncadd.s32 $0xFFFFFE00  }
0x25: {  	_ =	swait.ge [sflag:s18], $0x2000  }
0x26: {  	[sflag:s18] =	ssyncset.done $0x0  }
0x27: {  	[sflag:s18] =	ssyncadd.s32 $0xFFFFE000  }
0x28: {  	_ =	swait.ge [sflag:s18], $0x80  }
0x29: {  	[sflag:s18] =	ssyncset.done $0x0  }
0x2a: {  	[sflag:s18] =	ssyncadd.s32 $0xFFFFFF80  }
0x2b: {  	v10 =	vor.u32 s5, v3;
	_ =	swait.ge [sflag:s18], $0x80  }
0x2c: {  	vm1 =	vgt.s32 v10, $0x1;
	[sflag:s18] =	ssyncset.done $0x0  }
0x2d: {  	v6 =	vnsel vm1, $0x1, v10;
	[sflag:s18] =	ssyncadd.s32 $0xFFFFFF80  }
0x2e: {  	v6 =	vadd.s32 $0xFFFFFFFF, v6;
	_ =	swait.ge [sflag:s18], $0x80  }
0x2f: {  	[sflag:s18] =	ssyncset.done $0x0  }
0x30: {  	[sflag:s18] =	ssyncadd.s32 $0xFFFFFF80  }
0x31: {  	s22 =	simm.s32 $0x10;
	v8 =	vld.idx.msk [tilespmem:v10+s13+$0x0], $0xffff  }
0x32: {  	v7 =	vor.u32 s22, v3  }
0x33: {  	vm1 =	vgt.s32 v7, $0x1;
	v6 =	vld.idx.msk [tilespmem:v6+s13+$0x0], $0xffff  }
0x34: {  	v11 =	vmov s5;
	v9 =	vnsel vm1, $0x1, v7  }
0x35: {  	v11 =	vshll.u32 v11, $0x7;
	v9 =	vadd.s32 $0xFFFFFFFF, v9  }
0x36: {  	v11 =	vor.u32 v5, v11;
	v12 =	vand.u32 $0xFFFFFF80, v8  }
0x37: {  	v13 =	vand.u32 $0x7F, v8;
	v8 =	vadd.s32 v11, v12  }
0x38: {  	s23 =	simm.s32 $0x20;
	v6 =	vshll.u32 v6, $0x7;
	v11 =	vld.idx.msk [tilespmem:v7+s13+$0x0], $0xffff;
	v14 =	vor.u32 v13, v8  }
0x39: {  	v6 =	vadd.s32 v12, v6;
	v8 =	vor.u32 s23, v3  }
0x3a: {  	v9 =	vld.idx.msk [tilespmem:v9+s13+$0x0], $0xffff;
	v12 =	vor.u32 v13, v6;
	vm1 =	vgt.s32 v8, $0x1  }
0x3b: {  	v6 =	vld.idx.msk [tilespmem:v1+s17+$0x0], $0xffff;
	v13 =	vmov s22;
	v15 =	vnsel vm1, $0x1, v8  }
0x3c: {  	v13 =	vshll.u32 v13, $0x7;
	v15 =	vadd.s32 $0xFFFFFFFF, v15  }
0x3d: {  	v13 =	vor.u32 v5, v13;
	v16 =	vand.u32 $0xFFFFFF80, v11;
	v17 =	vld.idx.msk [tilespmem:v14+s5+$0x0], $0xffff  }
0x3e: {  	v19 =	vand.u32 $0x7F, v11;
	v11 =	vadd.s32 v13, v16  }
0x3f: {  	v18 =	vmov s23;
	v9 =	vshll.u32 v9, $0x7;
	v13 =	vld.idx.msk [tilespmem:v12+s14+$0x0], $0xffff;
	v12 =	vor.u32 v19, v11  }
0x40: {  	s22 =	simm.s32 $0x30;
	v14 =	vimm.f32 $0.0e+00;
	v20 =	vadd.s32 v16, v9;
	vm1 =	vlt.s32 v10, v6;
	v11 =	vld.idx.msk [tilespmem:v8+s13+$0x0], $0xffff  }
0x41: {  	s23 =	simm.s32 $0x40;
	v9 =	vor.u32 s22, v3;
	v16 =	vld.idx.msk [tilespmem:v15+s13+$0x0], $0xffff;
	v15 =	vor.u32 v19, v20;
	v19 =	vsel vm1, $0x3F800000, v2  }
.LBB2_2:
0x42: {  	p0 =	sne.s32 s23, $0xF0;
	vm1 =	vgt.s32 v9, $0x1;
	v20 =	vmul.f32 v19, v17;
	vm2 =	veq.s32 v10, $0x0;
	v10 =	vmovc v7;
	v7 =	vmovc v8  }
0x43: {  	v18 =	vshll.u32 v18, $0x7;
	v8 =	vmovc v9;
	v17 =	vnsel vm1, $0x1, v9;
	v19 =	vsel vm2, $0x0, v19  }
0x44: {  	v21 =	vadd.s32 $0xFFFFFFFF, v17;
	v17 =	vld.idx.msk [tilespmem:v12+s5+$0x0], $0xffff;
	v12 =	vadd.f32 v20, v14;
	v14 =	vmul.f32 v13, v19  }
.Ltmp0:
0x45: {  	v19 =	vand.u32 $0xFFFFFF80, v11;
	v13 =	vor.u32 v5, v18;
	(pc) =	sbr.rel @p0 .LBB2_2-.Ltmp0, $4  }
0x46: {  	v20 =	vand.u32 $0x7F, v11;
	v18 =	vadd.s32 v13, v19;
	v13 =	vld.idx.msk [tilespmem:v15+s14+$0x0], $0xffff;
	v14 =	vadd.f32 v14, v12  }
0x47: {  	v12 =	vor.u32 v20, v18;
	v11 =	vld.idx.msk [tilespmem:v9+s13+$0x0], $0xffff;
	v9 =	vshll.u32 v16, $0x7  }
0x48: {  	vm1 =	vlt.s32 v10, v6;
	v18 =	vmov s22;
	s22 =	smov.u32 s23;
	v15 =	vadd.s32 v19, v9  }
0x49: {  	s23 =	sadd.s32 $0x10, s23;
	v9 =	vor.u32 s22, v3;
	v19 =	vsel vm1, $0x3F800000, v2;
	v16 =	vld.idx.msk [tilespmem:v21+s13+$0x0], $0xffff;
	v15 =	vor.u32 v20, v15  }
0x4a: {  	vm1 =	vgt.s32 v9, $0x1  }
0x4b: {  	v20 =	vnsel vm1, $0x1, v9  }
0x4c: {  	v41 =	vadd.s32 $0xFFFFFFFF, v20  }
0x4d: {  	v17 =	vmul.f32 v19, v17;
	v18 =	vshll.u32 v18, $0x7;
	v46 =	vmov s22  }
0x4e: {  	v47 =	vadd.s32 $0xFFFFFFFF, v6;
	vm1 =	veq.s32 v10, $0x0;
	v18 =	vor.u32 v5, v18  }
0x4f: {  	v45 =	vld.idx.msk [tilespmem:v9+s13+$0x0], $0xffff;
	v42 =	vsel vm1, $0x0, v19;
	v14 =	vadd.f32 v17, v14;
	v43 =	vand.u32 $0xFFFFFF80, v11  }
0x50: {  	v44 =	vand.u32 $0x7F, v11;
	vm1 =	vlt.s32 v7, v6;
	v13 =	vmul.f32 v13, v42  }
0x51: {  	v18 =	vadd.s32 v18, v43;
	v48 =	vsel vm1, $0x3F800000, v2;
	vm1 =	vgt.s32 v47, $0x0;
	v10 =	vld.idx.msk [tilespmem:v41+s13+$0x0], $0xffff  }
0x52: {  	v12 =	vld.idx.msk [tilespmem:v12+s5+$0x0], $0xffff;
	v16 =	vshll.u32 v16, $0x7;
	v18 =	vor.u32 v44, v18;
	v21 =	vnsel vm1, $0x0, v47  }
0x53: {  	v16 =	vadd.s32 v43, v16;
	v13 =	vadd.f32 v13, v14;
	v14 =	vshll.u32 v46, $0x7  }
0x54: {  	v49 =	vand.u32 $0xFFFFFF80, v45;
	v11 =	vor.u32 v44, v16;
	v14 =	vor.u32 v5, v14  }
0x55: {  	v15 =	vld.idx.msk [tilespmem:v15+s14+$0x0], $0xffff;
	v19 =	vand.u32 $0x7F, v45;
	v14 =	vadd.s32 v14, v49  }
0x56: {  	v52 =	vld.msk [tilespmem:s13+$0x0], $0xffff;
	v50 =	vor.u32 v19, v14;
	v10 =	vshll.u32 v10, $0x7  }
0x57: {  	vm1 =	veq.s32 v7, $0x0;
	v12 =	vmul.f32 v48, v12;
	v18 =	vld.idx.msk [tilespmem:v18+s5+$0x0], $0xffff;
	v10 =	vadd.s32 v49, v10  }
0x58: {  	v51 =	vsel vm1, $0x0, v48;
	vm1 =	vlt.s32 v8, v6;
	v54 =	vld.idx.msk [tilespmem:v21+s13+$0x0], $0xffff;
	v10 =	vor.u32 v19, v10  }
0x59: {  	v53 =	vsel vm1, $0x3F800000, v2;
	v7 =	vld.idx.msk [tilespmem:v11+s14+$0x0], $0xffff  }
0x5a: {  	vm1 =	veq.s32 v8, $0x0;
	v12 =	vadd.f32 v12, v13;
	v13 =	vmul.f32 v15, v51  }
0x5b: {  	v8 =	vsel vm1, $0x0, v53;
	v11 =	vld.idx.msk [tilespmem:v50+s5+$0x0], $0xffff  }
0x5c: {  	vm1 =	vlt.s32 v9, v6;
	v12 =	vadd.f32 v13, v12;
	v55 =	vmul.f32 v53, v18  }
0x5d: {  	v6 =	vand.u32 $0xFF, v21;
	v57 =	vsel vm1, $0x3F800000, v2;
	vm1 =	vlt.s32 v47, $0x1;
	v56 =	vld.idx.msk [tilespmem:v10+s14+$0x0], $0xffff  }
0x5e: {  	vm2 =	vne.s32 v6, $0x0;
	v12 =	vadd.f32 v55, v12;
	v7 =	vmul.f32 v7, v8  }
0x5f: {  	v58 =	vld.idx.msk [tilespmem:v52+s15+$0x0], $0xffff;
	vm1 =	vmand vm1, vm2  }
0x60: {  	vm2 =	veq.s32 v9, $0x0;
	v7 =	vadd.f32 v7, v12;
	v6 =	vmul.f32 v57, v11  }
0x61: {  	v60 =	vshrl.u32 v21, $0x8;
	v9 =	vsel vm2, $0x0, v57;
	v61 =	vsel vm1, $0xFFFFFFFF, v2;
	v59 =	vld.idx.msk [tilespmem:v54+s16+$0x0], $0xffff  }
0x62: {  	v62 =	vadd.s32 v61, v60;
	v6 =	vadd.f32 v6, v7;
	v7 =	vmul.f32 v56, v9  }
0x63: {  	vm1 =	veq.s32 v62, v0  }
0x64: {  	vm1 =	vmand vm1, vm0;
	v6 =	vadd.f32 v7, v6;
	v7 =	vmul.f32 v4, v58  }
0x65: {  	v63 =	vsel vm1, $0x3F800000, v2  }
0x66: {  	v6 =	vadd.f32 v7, v6;
	v7 =	vmul.f32 v63, v59;
	_ =	sdelay $0x1  }
0x67: {  	v6 =	vadd.f32 v7, v6;
	_ =	sdelay $0x1  }
0x68: {  	(xrf2) =	vadd.scan.msk.f32 $0xffff, v6;
	_ =	sdelay $0x9  }
0x69: {  	v6, _, _ =	vpop (xrf2)  }
0x6a: {  	s21 =	sadd.s32 $0x1, s21;
	v6 =	vbroadcast v6, $0xF  }
0x6b: {  	p0 =	sne.s32 s21, s10  }
.Ltmp1:
0x6c: {  	[tilespmem:$0xA380] =	vst v6;
	(pc) =	sbr.rel @p0 .LBB2_1-.Ltmp1, $4  }
0x6d: {  	[hbm4b:s9+s5] =	stream.linear.scatter [tilespmem:s19], [sflag:$0x2], $0x80, $0x38;
	[tilespmem:$0xA400] =	vst v63  }
0x6e: {  	_ =	swait.ge [sflag:s20], $0x80  }
0x6f: {  	[sflag:s20] =	ssyncset.done $0x0  }
0x70: {  	[sflag:s20] =	ssyncadd.s32 $0xFFFFFF80  }
0x71: {  	_ =	sfence.sel $0x180000  }
0x72: {  	[bflag:$0x0] =	sbarrier.arrive $0xFFFF  }
0x73: {  	p0 =	sne.s32 s6, $0x0;
	_ =	strace $0x90000047  }
0x74: {  	s0 =	sadd.s32 @!p0 $0x100000, s0;
	[bflag:$0x2] =	sbarrier.arrive $0xFFFF  }
0x75: {  	[sflag:s0] =	ssyncadd.tile.s32 @!p0 $0x1;
	_ =	shalt  }
.Lfunc_end2:
_tile_overlayer_lowered:
.L_overlay_start_2:
0x76: {  	(tag) =	ssettag $0x2  }
0x77: {  	s0 =	rddreg [dreg:$0x0];
	s2 =	stileid.u32  }
0x78: {  	s1 =	rddreg [dreg:$0x1];
	p0 =	sne.s32 s2, $0x0  }
0x79: {  	s3 =	rddreg [dreg:$0x2];
	[bflag:$0x3] =	sbarrier.arrive $0xFFFF;
	s2 =	simm.s32 @!p0 $0x1C02  }
0x7a: {  	[timem:s3], [sflag:s2] =	dma.local @!p0 [hbm:s0], s1  }
0x7b: {  	s0 =	simm.s32 @!p0 $0x2  }
0x7c: {  	_ =	swait.ge @!p0 [sflag:s0], s1  }
0x7d: {  	s1 =	ssub.s32 @!p0 $0x0, s1;
	[sflag:s0] =	ssyncset.done @!p0 $0x0  }
0x7e: {  	[sflag:s0] =	ssyncadd.s32 @!p0 s1  }
0x7f: {  	[bflag:$0x3] =	sbarrier.arrive $0xFFFF  }
0x80: {  	_ =	shalt  }

</sc_bundles>
